<compile_context>
chip_gen: v7x
topology: tpu7x:2x2x1
jax: 0.10.2.dev20260603
libtpu: 0.0.44.dev20260713+nightly
codegen_flags: <defaults>
</compile_context>

<pallas_src>
import functools
import math

import jax
import jax.numpy as jnp
from jax import lax
from jax.experimental import pallas as pl
from jax.experimental.pallas import tpu as pltpu
from jax.experimental.pallas import tpu_sc as plsc

BATCH = 1024
SEQ = 512
D = 128
N = BATCH * SEQ
NUM_WORKERS = 32
ROWS_PER_W = N // NUM_WORKERS
CHUNK = 64
NCHUNKS = ROWS_PER_W // CHUNK
NBUF = 4
LANES = 16
SCALE = math.sqrt(D)


def _adapter_sc(ids_flat, embed_table, pos_table):
    mesh = plsc.VectorSubcoreMesh(core_axis_name="c", subcore_axis_name="s")

    @functools.partial(
        pl.kernel,
        mesh=mesh,
        out_type=jax.ShapeDtypeStruct((N, D), jnp.float32),
        scratch_types=(
            [pltpu.VMEM((ROWS_PER_W,), jnp.int32),
             pltpu.VMEM((SEQ, D), jnp.float32)]
            + [pltpu.VMEM((CHUNK, D), jnp.float32)] * NBUF
            + [pltpu.SemaphoreType.DMA] * (2 * NBUF)
        ),
    )
    def k(ids_hbm, table_hbm, pos_hbm, out_hbm, idx_v, pos_v, *ring):
        bufs = ring[:NBUF]
        gsems = ring[NBUF:2 * NBUF]
        osems = ring[2 * NBUF:]
        wid = lax.axis_index("s") * 2 + lax.axis_index("c")
        base = wid * ROWS_PER_W

        pltpu.sync_copy(ids_hbm.at[pl.ds(base, ROWS_PER_W)], idx_v)
        pltpu.sync_copy(pos_hbm, pos_v)

        def gather(cc, buf, sem):
            return pltpu.make_async_copy(
                table_hbm.at[idx_v.at[pl.ds(cc * CHUNK, CHUNK)]], buf, sem)

        def writeback(cc, buf, sem):
            return pltpu.make_async_copy(
                buf, out_hbm.at[pl.ds(base + cc * CHUNK, CHUNK)], sem)

        def compute(cc, buf):
            pos_row = lax.rem(cc * CHUNK, SEQ)

            @plsc.parallel_loop(0, CHUNK, unroll=2)
            def _(r):
                g = [buf[r, pl.ds(c0, LANES)] for c0 in range(0, D, LANES)]
                p = [pos_v[pos_row + r, pl.ds(c0, LANES)]
                     for c0 in range(0, D, LANES)]
                for i, c0 in enumerate(range(0, D, LANES)):
                    buf[r, pl.ds(c0, LANES)] = g[i] * SCALE + p[i]

        gather(0, bufs[0], gsems[0]).start()
        gather(1, bufs[1], gsems[1]).start()

        @pl.loop(0, NCHUNKS, step=NBUF)
        def _(c):
            for j in range(NBUF):
                cc = c + j
                b2 = (j + 2) % NBUF

                @pl.when(cc >= 2)
                def _():
                    writeback(cc - 2, bufs[b2], osems[b2]).wait()

                @pl.when(cc + 2 < NCHUNKS)
                def _():
                    gather(cc + 2, bufs[b2], gsems[b2]).start()

                gather(cc, bufs[j], gsems[j]).wait()
                compute(cc, bufs[j])
                writeback(cc, bufs[j], osems[j]).start()

        writeback(NCHUNKS - 2, bufs[(NCHUNKS - 2) % NBUF],
                  osems[(NCHUNKS - 2) % NBUF]).wait()
        writeback(NCHUNKS - 1, bufs[(NCHUNKS - 1) % NBUF],
                  osems[(NCHUNKS - 1) % NBUF]).wait()

    return k(ids_flat, embed_table, pos_table)


def kernel(input_ids, embed_table, pos_table):
    ids_flat = input_ids.reshape(N).astype(jnp.int32)
    out = _adapter_sc(ids_flat, embed_table, pos_table)
    return out.reshape(BATCH, SEQ, D)

# --- scband reference (transcript-rebuilt; emitter-appended) ---
"""Pipeline reference for scband-adapter-2972117369249 (READ-ONLY COPY).

The authoritative reference and input builder live on the scoring server;
editing this copy changes nothing except your own understanding.
"""

import jax, jax.numpy as jnp
import numpy as np
import math

VOCAB = 100000
EMBED_DIM = 128
BATCH = 1024
SEQ_LEN = 512
MAX_SEQ_LEN = 512


def setup_inputs(seed: int = 0) -> dict:
    key = jax.random.key(seed)
    k1, k2, k3 = jax.random.split(key, 3)
    input_ids = jax.random.randint(k1, (BATCH, SEQ_LEN), 0, VOCAB, dtype=jnp.int64 if jax.config.jax_enable_x64 else jnp.int32)
    embed_table = jax.random.normal(k2, (VOCAB, EMBED_DIM), dtype=jnp.float32) * 0.02
    pos_table = jax.random.normal(k3, (MAX_SEQ_LEN, EMBED_DIM), dtype=jnp.float32) * 0.02
    return {"input_ids": input_ids, "embed_table": embed_table, "pos_table": pos_table}


def reference(input_ids, embed_table, pos_table):
    # Faithful translation of Adapter.forward:
    #   guard: seq_len must be <= 512 (statically true here)
    #   inputs_embeds = embedding(input_ids) * sqrt(embedding_dim)
    #   embed_pos = pos_embedding(input_shape)  -> learned positions [seq_len, d]
    #   hidden = inputs_embeds + embed_pos
    seq_len = input_ids.shape[-1]
    assert seq_len <= MAX_SEQ_LEN
    embed_scale = math.sqrt(EMBED_DIM)
    ids = input_ids.reshape(-1, seq_len)
    inputs_embeds = jnp.take(embed_table, ids, axis=0) * embed_scale
    positions = jnp.arange(seq_len)
    embed_pos = jnp.take(pos_table, positions, axis=0)[None, :, :]
    hidden_states = inputs_embeds + embed_pos
    return hidden_states

if __name__ == "__main__":
    import jax
    _d = setup_inputs()
    print(jax.jit(kernel)(*tuple(_d.values())))

</pallas_src>

<mosaic_0001>
#map = affine_map<(d0, d1) -> (0)>
#map1 = affine_map<(d0, d1) -> (0, 0)>
module attributes {stable_mosaic.version = 14 : i64} {
  func.func @k(%arg0: i32, %arg1: i32, %arg2: memref<524288xi32, #tpu.memory_space<hbm>>, %arg3: memref<100000x128xf32, #tpu.memory_space<hbm>>, %arg4: memref<512x128xf32, #tpu.memory_space<hbm>>, %arg5: memref<524288x128xf32, #tpu.memory_space<hbm>>, %arg6: memref<16384xi32, #tpu.memory_space<vmem>>, %arg7: memref<512x128xf32, #tpu.memory_space<vmem>>, %arg8: memref<64x128xf32, #tpu.memory_space<vmem>>, %arg9: memref<64x128xf32, #tpu.memory_space<vmem>>, %arg10: memref<64x128xf32, #tpu.memory_space<vmem>>, %arg11: memref<64x128xf32, #tpu.memory_space<vmem>>, %arg12: memref<!tpu.dma_semaphore, #tpu.memory_space<semaphore_mem>>, %arg13: memref<!tpu.dma_semaphore, #tpu.memory_space<semaphore_mem>>, %arg14: memref<!tpu.dma_semaphore, #tpu.memory_space<semaphore_mem>>, %arg15: memref<!tpu.dma_semaphore, #tpu.memory_space<semaphore_mem>>, %arg16: memref<!tpu.dma_semaphore, #tpu.memory_space<semaphore_mem>>, %arg17: memref<!tpu.dma_semaphore, #tpu.memory_space<semaphore_mem>>, %arg18: memref<!tpu.dma_semaphore, #tpu.memory_space<semaphore_mem>>, %arg19: memref<!tpu.dma_semaphore, #tpu.memory_space<semaphore_mem>>) attributes {dimension_semantics = [#tpu.dimension_semantics<core_parallel>, #tpu.dimension_semantics<subcore_parallel>], iteration_bounds = array<i64: 2, 16>, scalar_prefetch = 0 : i64, scratch_operands = 14 : i64, tpu.core_type = #tpu.core_type<sc_vector_subcore>, window_params = [{transform_indices = #map}, {transform_indices = #map1}, {transform_indices = #map1}, {transform_indices = #map1}]} {
    %mul3A = arith.constant 2 : i32
    %mul3A_0 = arith.muli %arg1, %mul3A : i32
    %add3A = arith.addi %mul3A_0, %arg0 : i32
    %mul3A_1 = arith.constant 16384 : i32
    %mul3A_2 = arith.muli %add3A, %mul3A_1 : i32
    "tpu.region"() ({
      %run_scoped3A = tpu.sem_alloc : memref<!tpu.dma_semaphore, #tpu.memory_space<semaphore_mem>>
      %dma_start3A_27 = tpu.memref_slice %arg2[%mul3A_2] : memref<524288xi32, #tpu.memory_space<hbm>> -> memref<16384xi32, #tpu.memory_space<hbm>>
      %dma_start3A_28 = tpu.memref_slice %arg2[%mul3A_2] : memref<524288xi32, #tpu.memory_space<hbm>> -> memref<16384xi32, #tpu.memory_space<hbm>>
      tpu.enqueue_dma source(%dma_start3A_28 : memref<16384xi32, #tpu.memory_space<hbm>>) target(%arg6 : memref<16384xi32, #tpu.memory_space<vmem>>) target_semaphore(%run_scoped3A : memref<!tpu.dma_semaphore, #tpu.memory_space<semaphore_mem>>)
      %dma_wait3A_29 = tpu.memref_slice %arg2[%mul3A_2] : memref<524288xi32, #tpu.memory_space<hbm>> -> memref<16384xi32, #tpu.memory_space<hbm>>
      %dma_wait3A_30 = tpu.memref_slice %arg2[%mul3A_2] : memref<524288xi32, #tpu.memory_space<hbm>> -> memref<16384xi32, #tpu.memory_space<hbm>>
      tpu.wait_dma2 semaphore(%run_scoped3A : memref<!tpu.dma_semaphore, #tpu.memory_space<semaphore_mem>>) src(%dma_wait3A_30 : memref<16384xi32, #tpu.memory_space<hbm>>) dst(%arg6 : memref<16384xi32, #tpu.memory_space<vmem>>)
      tpu.yield
    }) : () -> ()
    "tpu.region"() ({
      %run_scoped3A = tpu.sem_alloc : memref<!tpu.dma_semaphore, #tpu.memory_space<semaphore_mem>>
      tpu.enqueue_dma source(%arg4 : memref<512x128xf32, #tpu.memory_space<hbm>>) target(%arg7 : memref<512x128xf32, #tpu.memory_space<vmem>>) target_semaphore(%run_scoped3A : memref<!tpu.dma_semaphore, #tpu.memory_space<semaphore_mem>>)
      tpu.wait_dma2 semaphore(%run_scoped3A : memref<!tpu.dma_semaphore, #tpu.memory_space<semaphore_mem>>) src(%arg4 : memref<512x128xf32, #tpu.memory_space<hbm>>) dst(%arg7 : memref<512x128xf32, #tpu.memory_space<vmem>>)
      tpu.yield
    }) : () -> ()
    %dma_start3A = arith.constant 0 : i32
    %dma_start3A_3 = tpu.memref_slice %arg6[%dma_start3A] : memref<16384xi32, #tpu.memory_space<vmem>> -> memref<64xi32, #tpu.memory_space<vmem>>
    %dma_start3A_4 = arith.constant 0 : i32
    %dma_start3A_5 = arith.constant 0 : i32
    %dma_start3A_6 = tpu.memref_slice %arg3[%dma_start3A_4, %dma_start3A_5] : memref<100000x128xf32, #tpu.memory_space<hbm>> -> memref<100000x128xf32, #tpu.memory_space<hbm>>
    tpu.enqueue_indirect_dma source(%dma_start3A_6 : memref<100000x128xf32, #tpu.memory_space<hbm>>) target(%arg8 : memref<64x128xf32, #tpu.memory_space<vmem>>) offsets(%dma_start3A_3 : memref<64xi32, #tpu.memory_space<vmem>>) semaphore(%arg12 : memref<!tpu.dma_semaphore, #tpu.memory_space<semaphore_mem>>)
    %dma_start3A_7 = arith.constant 64 : i32
    %dma_start3A_8 = tpu.memref_slice %arg6[%dma_start3A_7] : memref<16384xi32, #tpu.memory_space<vmem>> -> memref<64xi32, #tpu.memory_space<vmem>>
    %dma_start3A_9 = arith.constant 0 : i32
    %dma_start3A_10 = arith.constant 0 : i32
    %dma_start3A_11 = tpu.memref_slice %arg3[%dma_start3A_9, %dma_start3A_10] : memref<100000x128xf32, #tpu.memory_space<hbm>> -> memref<100000x128xf32, #tpu.memory_space<hbm>>
    tpu.enqueue_indirect_dma source(%dma_start3A_11 : memref<100000x128xf32, #tpu.memory_space<hbm>>) target(%arg9 : memref<64x128xf32, #tpu.memory_space<vmem>>) offsets(%dma_start3A_8 : memref<64xi32, #tpu.memory_space<vmem>>) semaphore(%arg13 : memref<!tpu.dma_semaphore, #tpu.memory_space<semaphore_mem>>)
    %scan3A = arith.constant 0 : i32
    %scan3A_12 = arith.constant 64 : i32
    %scan3A_13 = arith.addi %scan3A, %scan3A_12 : i32
    %scan3A_14 = arith.constant 1 : i32
    scf.for %scan3A_27 = %scan3A to %scan3A_13 step %scan3A_14  : i32 {
      %mul3A_28 = arith.constant 4 : i32
      %mul3A_29 = arith.muli %scan3A_27, %mul3A_28 : i32
      %add3A_30 = arith.constant 0 : i32
      %add3A_31 = arith.addi %add3A_30, %mul3A_29 : i32
      %add3A_32 = arith.constant 0 : i32
      %add3A_33 = arith.addi %add3A_31, %add3A_32 : i32
      %ge3A = arith.constant 2 : i32
      %ge3A_34 = arith.cmpi sge, %add3A_33, %ge3A : i32
      %convert_element_type3A = arith.extui %ge3A_34 : i1 to i32
      %cond3A = arith.constant 0 : i32
      %cond3A_35 = arith.cmpi ne, %convert_element_type3A, %cond3A : i32
      scf.if %cond3A_35 {
        %sub3A = arith.constant 2 : i32
        %sub3A_162 = arith.subi %add3A_33, %sub3A : i32
        %mul3A_163 = arith.constant 64 : i32
        %mul3A_164 = arith.muli %sub3A_162, %mul3A_163 : i32
        %add3A_165 = arith.addi %mul3A_2, %mul3A_164 : i32
        %dma_wait3A_166 = arith.constant 0 : i32
        %dma_wait3A_167 = tpu.memref_slice %arg5[%add3A_165, %dma_wait3A_166] : memref<524288x128xf32, #tpu.memory_space<hbm>> -> memref<64x128xf32, #tpu.memory_space<hbm>>
        %dma_wait3A_168 = arith.constant 0 : i32
        %dma_wait3A_169 = tpu.memref_slice %arg5[%add3A_165, %dma_wait3A_168] : memref<524288x128xf32, #tpu.memory_space<hbm>> -> memref<64x128xf32, #tpu.memory_space<hbm>>
        tpu.wait_dma2 semaphore(%arg18 : memref<!tpu.dma_semaphore, #tpu.memory_space<semaphore_mem>>) src(%arg10 : memref<64x128xf32, #tpu.memory_space<vmem>>) dst(%dma_wait3A_169 : memref<64x128xf32, #tpu.memory_space<hbm>>)
      } else {
      }
      %add3A_36 = arith.constant 2 : i32
      %add3A_37 = arith.addi %add3A_33, %add3A_36 : i32
      %lt3A = arith.constant 256 : i32
      %lt3A_38 = arith.cmpi slt, %add3A_37, %lt3A : i32
      %convert_element_type3A_39 = arith.extui %lt3A_38 : i1 to i32
      %cond3A_40 = arith.constant 0 : i32
      %cond3A_41 = arith.cmpi ne, %convert_element_type3A_39, %cond3A_40 : i32
      scf.if %cond3A_41 {
        %add3A_162 = arith.constant 2 : i32
        %add3A_163 = arith.addi %add3A_33, %add3A_162 : i32
        %mul3A_164 = arith.constant 64 : i32
        %mul3A_165 = arith.muli %add3A_163, %mul3A_164 : i32
        %dma_start3A_166 = tpu.memref_slice %arg6[%mul3A_165] : memref<16384xi32, #tpu.memory_space<vmem>> -> memref<64xi32, #tpu.memory_space<vmem>>
        %dma_start3A_167 = arith.constant 0 : i32
        %dma_start3A_168 = arith.constant 0 : i32
        %dma_start3A_169 = tpu.memref_slice %arg3[%dma_start3A_167, %dma_start3A_168] : memref<100000x128xf32, #tpu.memory_space<hbm>> -> memref<100000x128xf32, #tpu.memory_space<hbm>>
        tpu.enqueue_indirect_dma source(%dma_start3A_169 : memref<100000x128xf32, #tpu.memory_space<hbm>>) target(%arg10 : memref<64x128xf32, #tpu.memory_space<vmem>>) offsets(%dma_start3A_166 : memref<64xi32, #tpu.memory_space<vmem>>) semaphore(%arg14 : memref<!tpu.dma_semaphore, #tpu.memory_space<semaphore_mem>>)
      } else {
      }
      %mul3A_42 = arith.constant 64 : i32
      %mul3A_43 = arith.muli %add3A_33, %mul3A_42 : i32
      %dma_wait3A_44 = tpu.memref_slice %arg6[%mul3A_43] : memref<16384xi32, #tpu.memory_space<vmem>> -> memref<64xi32, #tpu.memory_space<vmem>>
      %dma_wait3A_45 = arith.constant 0 : i32
      %dma_wait3A_46 = arith.constant 0 : i32
      %dma_wait3A_47 = tpu.memref_slice %arg3[%dma_wait3A_45, %dma_wait3A_46] : memref<100000x128xf32, #tpu.memory_space<hbm>> -> memref<100000x128xf32, #tpu.memory_space<hbm>>
      tpu.wait_indirect_dma semaphore(%arg12 : memref<!tpu.dma_semaphore, #tpu.memory_space<semaphore_mem>>) src(%dma_wait3A_47 : memref<100000x128xf32, #tpu.memory_space<hbm>>) dst(%arg8 : memref<64x128xf32, #tpu.memory_space<vmem>>)
      %mul3A_48 = arith.constant 64 : i32
      %mul3A_49 = arith.muli %add3A_33, %mul3A_48 : i32
      %rem3A = arith.constant 512 : i32
      %rem3A_50 = arith.remsi %mul3A_49, %rem3A : i32
      %parallel_loop3A = arith.constant 0 : i32
      %parallel_loop3A_51 = arith.constant 64 : i32
      %parallel_loop3A_52 = arith.constant 1 : i32
      scf.for %parallel_loop3A_162 = %parallel_loop3A to %parallel_loop3A_51 step %parallel_loop3A_52  : i32 {
        %parallel_loop3A_163 = arith.index_cast %parallel_loop3A_162 : i32 to index
        %parallel_loop3A_164 = arith.constant 0 : index
        %parallel_loop3A_165 = tpu.vector_load %arg8[%parallel_loop3A_163, %parallel_loop3A_164] {strides = array<i32>} : memref<64x128xf32, #tpu.memory_space<vmem>>, vector<1x16xf32>,
        %parallel_loop3A_166 = vector.shape_cast %parallel_loop3A_165 : vector<1x16xf32> to vector<16xf32>
        %parallel_loop3A_167 = arith.index_cast %parallel_loop3A_162 : i32 to index
        %parallel_loop3A_168 = arith.constant 16 : index
        %parallel_loop3A_169 = tpu.vector_load %arg8[%parallel_loop3A_167, %parallel_loop3A_168] {strides = array<i32>} : memref<64x128xf32, #tpu.memory_space<vmem>>, vector<1x16xf32>,
        %parallel_loop3A_170 = vector.shape_cast %parallel_loop3A_169 : vector<1x16xf32> to vector<16xf32>
        %parallel_loop3A_171 = arith.index_cast %parallel_loop3A_162 : i32 to index
        %parallel_loop3A_172 = arith.constant 32 : index
        %parallel_loop3A_173 = tpu.vector_load %arg8[%parallel_loop3A_171, %parallel_loop3A_172] {strides = array<i32>} : memref<64x128xf32, #tpu.memory_space<vmem>>, vector<1x16xf32>,
        %parallel_loop3A_174 = vector.shape_cast %parallel_loop3A_173 : vector<1x16xf32> to vector<16xf32>
        %parallel_loop3A_175 = arith.index_cast %parallel_loop3A_162 : i32 to index
        %parallel_loop3A_176 = arith.constant 48 : index
        %parallel_loop3A_177 = tpu.vector_load %arg8[%parallel_loop3A_175, %parallel_loop3A_176] {strides = array<i32>} : memref<64x128xf32, #tpu.memory_space<vmem>>, vector<1x16xf32>,
        %parallel_loop3A_178 = vector.shape_cast %parallel_loop3A_177 : vector<1x16xf32> to vector<16xf32>
        %parallel_loop3A_179 = arith.index_cast %parallel_loop3A_162 : i32 to index
        %parallel_loop3A_180 = arith.constant 64 : index
        %parallel_loop3A_181 = tpu.vector_load %arg8[%parallel_loop3A_179, %parallel_loop3A_180] {strides = array<i32>} : memref<64x128xf32, #tpu.memory_space<vmem>>, vector<1x16xf32>,
        %parallel_loop3A_182 = vector.shape_cast %parallel_loop3A_181 : vector<1x16xf32> to vector<16xf32>
        %parallel_loop3A_183 = arith.index_cast %parallel_loop3A_162 : i32 to index
        %parallel_loop3A_184 = arith.constant 80 : index
        %parallel_loop3A_185 = tpu.vector_load %arg8[%parallel_loop3A_183, %parallel_loop3A_184] {strides = array<i32>} : memref<64x128xf32, #tpu.memory_space<vmem>>, vector<1x16xf32>,
        %parallel_loop3A_186 = vector.shape_cast %parallel_loop3A_185 : vector<1x16xf32> to vector<16xf32>
        %parallel_loop3A_187 = arith.index_cast %parallel_loop3A_162 : i32 to index
        %parallel_loop3A_188 = arith.constant 96 : index
        %parallel_loop3A_189 = tpu.vector_load %arg8[%parallel_loop3A_187, %parallel_loop3A_188] {strides = array<i32>} : memref<64x128xf32, #tpu.memory_space<vmem>>, vector<1x16xf32>,
        %parallel_loop3A_190 = vector.shape_cast %parallel_loop3A_189 : vector<1x16xf32> to vector<16xf32>
        %parallel_loop3A_191 = arith.index_cast %parallel_loop3A_162 : i32 to index
        %parallel_loop3A_192 = arith.constant 112 : index
        %parallel_loop3A_193 = tpu.vector_load %arg8[%parallel_loop3A_191, %parallel_loop3A_192] {strides = array<i32>} : memref<64x128xf32, #tpu.memory_space<vmem>>, vector<1x16xf32>,
        %parallel_loop3A_194 = vector.shape_cast %parallel_loop3A_193 : vector<1x16xf32> to vector<16xf32>
        %parallel_loop3A_195 = arith.addi %rem3A_50, %parallel_loop3A_162 : i32
        %parallel_loop3A_196 = arith.index_cast %parallel_loop3A_195 : i32 to index
        %parallel_loop3A_197 = arith.constant 0 : index
        %parallel_loop3A_198 = tpu.vector_load %arg7[%parallel_loop3A_196, %parallel_loop3A_197] {strides = array<i32>} : memref<512x128xf32, #tpu.memory_space<vmem>>, vector<1x16xf32>,
        %parallel_loop3A_199 = vector.shape_cast %parallel_loop3A_198 : vector<1x16xf32> to vector<16xf32>
        %parallel_loop3A_200 = arith.addi %rem3A_50, %parallel_loop3A_162 : i32
        %parallel_loop3A_201 = arith.index_cast %parallel_loop3A_200 : i32 to index
        %parallel_loop3A_202 = arith.constant 16 : index
        %parallel_loop3A_203 = tpu.vector_load %arg7[%parallel_loop3A_201, %parallel_loop3A_202] {strides = array<i32>} : memref<512x128xf32, #tpu.memory_space<vmem>>, vector<1x16xf32>,
        %parallel_loop3A_204 = vector.shape_cast %parallel_loop3A_203 : vector<1x16xf32> to vector<16xf32>
        %parallel_loop3A_205 = arith.addi %rem3A_50, %parallel_loop3A_162 : i32
        %parallel_loop3A_206 = arith.index_cast %parallel_loop3A_205 : i32 to index
        %parallel_loop3A_207 = arith.constant 32 : index
        %parallel_loop3A_208 = tpu.vector_load %arg7[%parallel_loop3A_206, %parallel_loop3A_207] {strides = array<i32>} : memref<512x128xf32, #tpu.memory_space<vmem>>, vector<1x16xf32>,
        %parallel_loop3A_209 = vector.shape_cast %parallel_loop3A_208 : vector<1x16xf32> to vector<16xf32>
        %parallel_loop3A_210 = arith.addi %rem3A_50, %parallel_loop3A_162 : i32
        %parallel_loop3A_211 = arith.index_cast %parallel_loop3A_210 : i32 to index
        %parallel_loop3A_212 = arith.constant 48 : index
        %parallel_loop3A_213 = tpu.vector_load %arg7[%parallel_loop3A_211, %parallel_loop3A_212] {strides = array<i32>} : memref<512x128xf32, #tpu.memory_space<vmem>>, vector<1x16xf32>,
        %parallel_loop3A_214 = vector.shape_cast %parallel_loop3A_213 : vector<1x16xf32> to vector<16xf32>
        %parallel_loop3A_215 = arith.addi %rem3A_50, %parallel_loop3A_162 : i32
        %parallel_loop3A_216 = arith.index_cast %parallel_loop3A_215 : i32 to index
        %parallel_loop3A_217 = arith.constant 64 : index
        %parallel_loop3A_218 = tpu.vector_load %arg7[%parallel_loop3A_216, %parallel_loop3A_217] {strides = array<i32>} : memref<512x128xf32, #tpu.memory_space<vmem>>, vector<1x16xf32>,
        %parallel_loop3A_219 = vector.shape_cast %parallel_loop3A_218 : vector<1x16xf32> to vector<16xf32>
        %parallel_loop3A_220 = arith.addi %rem3A_50, %parallel_loop3A_162 : i32
        %parallel_loop3A_221 = arith.index_cast %parallel_loop3A_220 : i32 to index
        %parallel_loop3A_222 = arith.constant 80 : index
        %parallel_loop3A_223 = tpu.vector_load %arg7[%parallel_loop3A_221, %parallel_loop3A_222] {strides = array<i32>} : memref<512x128xf32, #tpu.memory_space<vmem>>, vector<1x16xf32>,
        %parallel_loop3A_224 = vector.shape_cast %parallel_loop3A_223 : vector<1x16xf32> to vector<16xf32>
        %parallel_loop3A_225 = arith.addi %rem3A_50, %parallel_loop3A_162 : i32
        %parallel_loop3A_226 = arith.index_cast %parallel_loop3A_225 : i32 to index
        %parallel_loop3A_227 = arith.constant 96 : index
        %parallel_loop3A_228 = tpu.vector_load %arg7[%parallel_loop3A_226, %parallel_loop3A_227] {strides = array<i32>} : memref<512x128xf32, #tpu.memory_space<vmem>>, vector<1x16xf32>,
        %parallel_loop3A_229 = vector.shape_cast %parallel_loop3A_228 : vector<1x16xf32> to vector<16xf32>
        %parallel_loop3A_230 = arith.addi %rem3A_50, %parallel_loop3A_162 : i32
        %parallel_loop3A_231 = arith.index_cast %parallel_loop3A_230 : i32 to index
        %parallel_loop3A_232 = arith.constant 112 : index
        %parallel_loop3A_233 = tpu.vector_load %arg7[%parallel_loop3A_231, %parallel_loop3A_232] {strides = array<i32>} : memref<512x128xf32, #tpu.memory_space<vmem>>, vector<1x16xf32>,
        %parallel_loop3A_234 = vector.shape_cast %parallel_loop3A_233 : vector<1x16xf32> to vector<16xf32>
        %parallel_loop3A_235 = arith.constant 11.3137083 : f32
        %parallel_loop3A_236 = vector.broadcast %parallel_loop3A_235 : f32 to vector<16xf32>
        %parallel_loop3A_237 = arith.mulf %parallel_loop3A_166, %parallel_loop3A_236 : vector<16xf32>
        %parallel_loop3A_238 = arith.addf %parallel_loop3A_237, %parallel_loop3A_199 : vector<16xf32>
        %parallel_loop3A_239 = arith.index_cast %parallel_loop3A_162 : i32 to index
        %parallel_loop3A_240 = arith.constant 0 : index
        %parallel_loop3A_241 = tpu.vector_load %arg8[%parallel_loop3A_239, %parallel_loop3A_240] {strides = array<i32>} : memref<64x128xf32, #tpu.memory_space<vmem>>, vector<1x16xf32>,
        %parallel_loop3A_242 = vector.shape_cast %parallel_loop3A_241 : vector<1x16xf32> to vector<16xf32>
        %parallel_loop3A_243 = vector.shape_cast %parallel_loop3A_238 : vector<16xf32> to vector<1x16xf32>
        tpu.vector_store %arg8[%parallel_loop3A_239, %parallel_loop3A_240], %parallel_loop3A_243 {strides = array<i32>} : memref<64x128xf32, #tpu.memory_space<vmem>>, vector<1x16xf32>,
        %parallel_loop3A_244 = arith.constant 11.3137083 : f32
        %parallel_loop3A_245 = vector.broadcast %parallel_loop3A_244 : f32 to vector<16xf32>
        %parallel_loop3A_246 = arith.mulf %parallel_loop3A_170, %parallel_loop3A_245 : vector<16xf32>
        %parallel_loop3A_247 = arith.addf %parallel_loop3A_246, %parallel_loop3A_204 : vector<16xf32>
        %parallel_loop3A_248 = arith.index_cast %parallel_loop3A_162 : i32 to index
        %parallel_loop3A_249 = arith.constant 16 : index
        %parallel_loop3A_250 = tpu.vector_load %arg8[%parallel_loop3A_248, %parallel_loop3A_249] {strides = array<i32>} : memref<64x128xf32, #tpu.memory_space<vmem>>, vector<1x16xf32>,
        %parallel_loop3A_251 = vector.shape_cast %parallel_loop3A_250 : vector<1x16xf32> to vector<16xf32>
        %parallel_loop3A_252 = vector.shape_cast %parallel_loop3A_247 : vector<16xf32> to vector<1x16xf32>
        tpu.vector_store %arg8[%parallel_loop3A_248, %parallel_loop3A_249], %parallel_loop3A_252 {strides = array<i32>} : memref<64x128xf32, #tpu.memory_space<vmem>>, vector<1x16xf32>,
        %parallel_loop3A_253 = arith.constant 11.3137083 : f32
        %parallel_loop3A_254 = vector.broadcast %parallel_loop3A_253 : f32 to vector<16xf32>
        %parallel_loop3A_255 = arith.mulf %parallel_loop3A_174, %parallel_loop3A_254 : vector<16xf32>
        %parallel_loop3A_256 = arith.addf %parallel_loop3A_255, %parallel_loop3A_209 : vector<16xf32>
        %parallel_loop3A_257 = arith.index_cast %parallel_loop3A_162 : i32 to index
        %parallel_loop3A_258 = arith.constant 32 : index
        %parallel_loop3A_259 = tpu.vector_load %arg8[%parallel_loop3A_257, %parallel_loop3A_258] {strides = array<i32>} : memref<64x128xf32, #tpu.memory_space<vmem>>, vector<1x16xf32>,
        %parallel_loop3A_260 = vector.shape_cast %parallel_loop3A_259 : vector<1x16xf32> to vector<16xf32>
        %parallel_loop3A_261 = vector.shape_cast %parallel_loop3A_256 : vector<16xf32> to vector<1x16xf32>
        tpu.vector_store %arg8[%parallel_loop3A_257, %parallel_loop3A_258], %parallel_loop3A_261 {strides = array<i32>} : memref<64x128xf32, #tpu.memory_space<vmem>>, vector<1x16xf32>,
        %parallel_loop3A_262 = arith.constant 11.3137083 : f32
        %parallel_loop3A_263 = vector.broadcast %parallel_loop3A_262 : f32 to vector<16xf32>
        %parallel_loop3A_264 = arith.mulf %parallel_loop3A_178, %parallel_loop3A_263 : vector<16xf32>
        %parallel_loop3A_265 = arith.addf %parallel_loop3A_264, %parallel_loop3A_214 : vector<16xf32>
        %parallel_loop3A_266 = arith.index_cast %parallel_loop3A_162 : i32 to index
        %parallel_loop3A_267 = arith.constant 48 : index
        %parallel_loop3A_268 = tpu.vector_load %arg8[%parallel_loop3A_266, %parallel_loop3A_267] {strides = array<i32>} : memref<64x128xf32, #tpu.memory_space<vmem>>, vector<1x16xf32>,
        %parallel_loop3A_269 = vector.shape_cast %parallel_loop3A_268 : vector<1x16xf32> to vector<16xf32>
        %parallel_loop3A_270 = vector.shape_cast %parallel_loop3A_265 : vector<16xf32> to vector<1x16xf32>
        tpu.vector_store %arg8[%parallel_loop3A_266, %parallel_loop3A_267], %parallel_loop3A_270 {strides = array<i32>} : memref<64x128xf32, #tpu.memory_space<vmem>>, vector<1x16xf32>,
        %parallel_loop3A_271 = arith.constant 11.3137083 : f32
        %parallel_loop3A_272 = vector.broadcast %parallel_loop3A_271 : f32 to vector<16xf32>
        %parallel_loop3A_273 = arith.mulf %parallel_loop3A_182, %parallel_loop3A_272 : vector<16xf32>
        %parallel_loop3A_274 = arith.addf %parallel_loop3A_273, %parallel_loop3A_219 : vector<16xf32>
        %parallel_loop3A_275 = arith.index_cast %parallel_loop3A_162 : i32 to index
        %parallel_loop3A_276 = arith.constant 64 : index
        %parallel_loop3A_277 = tpu.vector_load %arg8[%parallel_loop3A_275, %parallel_loop3A_276] {strides = array<i32>} : memref<64x128xf32, #tpu.memory_space<vmem>>, vector<1x16xf32>,
        %parallel_loop3A_278 = vector.shape_cast %parallel_loop3A_277 : vector<1x16xf32> to vector<16xf32>
        %parallel_loop3A_279 = vector.shape_cast %parallel_loop3A_274 : vector<16xf32> to vector<1x16xf32>
        tpu.vector_store %arg8[%parallel_loop3A_275, %parallel_loop3A_276], %parallel_loop3A_279 {strides = array<i32>} : memref<64x128xf32, #tpu.memory_space<vmem>>, vector<1x16xf32>,
        %parallel_loop3A_280 = arith.constant 11.3137083 : f32
        %parallel_loop3A_281 = vector.broadcast %parallel_loop3A_280 : f32 to vector<16xf32>
        %parallel_loop3A_282 = arith.mulf %parallel_loop3A_186, %parallel_loop3A_281 : vector<16xf32>
        %parallel_loop3A_283 = arith.addf %parallel_loop3A_282, %parallel_loop3A_224 : vector<16xf32>
        %parallel_loop3A_284 = arith.index_cast %parallel_loop3A_162 : i32 to index
        %parallel_loop3A_285 = arith.constant 80 : index
        %parallel_loop3A_286 = tpu.vector_load %arg8[%parallel_loop3A_284, %parallel_loop3A_285] {strides = array<i32>} : memref<64x128xf32, #tpu.memory_space<vmem>>, vector<1x16xf32>,
        %parallel_loop3A_287 = vector.shape_cast %parallel_loop3A_286 : vector<1x16xf32> to vector<16xf32>
        %parallel_loop3A_288 = vector.shape_cast %parallel_loop3A_283 : vector<16xf32> to vector<1x16xf32>
        tpu.vector_store %arg8[%parallel_loop3A_284, %parallel_loop3A_285], %parallel_loop3A_288 {strides = array<i32>} : memref<64x128xf32, #tpu.memory_space<vmem>>, vector<1x16xf32>,
        %parallel_loop3A_289 = arith.constant 11.3137083 : f32
        %parallel_loop3A_290 = vector.broadcast %parallel_loop3A_289 : f32 to vector<16xf32>
        %parallel_loop3A_291 = arith.mulf %parallel_loop3A_190, %parallel_loop3A_290 : vector<16xf32>
        %parallel_loop3A_292 = arith.addf %parallel_loop3A_291, %parallel_loop3A_229 : vector<16xf32>
        %parallel_loop3A_293 = arith.index_cast %parallel_loop3A_162 : i32 to index
        %parallel_loop3A_294 = arith.constant 96 : index
        %parallel_loop3A_295 = tpu.vector_load %arg8[%parallel_loop3A_293, %parallel_loop3A_294] {strides = array<i32>} : memref<64x128xf32, #tpu.memory_space<vmem>>, vector<1x16xf32>,
        %parallel_loop3A_296 = vector.shape_cast %parallel_loop3A_295 : vector<1x16xf32> to vector<16xf32>
        %parallel_loop3A_297 = vector.shape_cast %parallel_loop3A_292 : vector<16xf32> to vector<1x16xf32>
        tpu.vector_store %arg8[%parallel_loop3A_293, %parallel_loop3A_294], %parallel_loop3A_297 {strides = array<i32>} : memref<64x128xf32, #tpu.memory_space<vmem>>, vector<1x16xf32>,
        %parallel_loop3A_298 = arith.constant 11.3137083 : f32
        %parallel_loop3A_299 = vector.broadcast %parallel_loop3A_298 : f32 to vector<16xf32>
        %parallel_loop3A_300 = arith.mulf %parallel_loop3A_194, %parallel_loop3A_299 : vector<16xf32>
        %parallel_loop3A_301 = arith.addf %parallel_loop3A_300, %parallel_loop3A_234 : vector<16xf32>
        %parallel_loop3A_302 = arith.index_cast %parallel_loop3A_162 : i32 to index
        %parallel_loop3A_303 = arith.constant 112 : index
        %parallel_loop3A_304 = tpu.vector_load %arg8[%parallel_loop3A_302, %parallel_loop3A_303] {strides = array<i32>} : memref<64x128xf32, #tpu.memory_space<vmem>>, vector<1x16xf32>,
        %parallel_loop3A_305 = vector.shape_cast %parallel_loop3A_304 : vector<1x16xf32> to vector<16xf32>
        %parallel_loop3A_306 = vector.shape_cast %parallel_loop3A_301 : vector<16xf32> to vector<1x16xf32>
        tpu.vector_store %arg8[%parallel_loop3A_302, %parallel_loop3A_303], %parallel_loop3A_306 {strides = array<i32>} : memref<64x128xf32, #tpu.memory_space<vmem>>, vector<1x16xf32>,
      } {sc.loop_unroll_factor = 2 : i64, sc.parallel_access}
      %mul3A_53 = arith.constant 64 : i32
      %mul3A_54 = arith.muli %add3A_33, %mul3A_53 : i32
      %add3A_55 = arith.addi %mul3A_2, %mul3A_54 : i32
      %dma_start3A_56 = arith.constant 0 : i32
      %dma_start3A_57 = tpu.memref_slice %arg5[%add3A_55, %dma_start3A_56] : memref<524288x128xf32, #tpu.memory_space<hbm>> -> memref<64x128xf32, #tpu.memory_space<hbm>>
      %dma_start3A_58 = arith.constant 0 : i32
      %dma_start3A_59 = tpu.memref_slice %arg5[%add3A_55, %dma_start3A_58] : memref<524288x128xf32, #tpu.memory_space<hbm>> -> memref<64x128xf32, #tpu.memory_space<hbm>>
      tpu.enqueue_dma source(%arg8 : memref<64x128xf32, #tpu.memory_space<vmem>>) target(%dma_start3A_59 : memref<64x128xf32, #tpu.memory_space<hbm>>) target_semaphore(%arg16 : memref<!tpu.dma_semaphore, #tpu.memory_space<semaphore_mem>>)
      %add3A_60 = arith.constant 1 : i32
      %add3A_61 = arith.addi %add3A_31, %add3A_60 : i32
      %ge3A_62 = arith.constant 2 : i32
      %ge3A_63 = arith.cmpi sge, %add3A_61, %ge3A_62 : i32
      %convert_element_type3A_64 = arith.extui %ge3A_63 : i1 to i32
      %cond3A_65 = arith.constant 0 : i32
      %cond3A_66 = arith.cmpi ne, %convert_element_type3A_64, %cond3A_65 : i32
      scf.if %cond3A_66 {
        %sub3A = arith.constant 2 : i32
        %sub3A_162 = arith.subi %add3A_61, %sub3A : i32
        %mul3A_163 = arith.constant 64 : i32
        %mul3A_164 = arith.muli %sub3A_162, %mul3A_163 : i32
        %add3A_165 = arith.addi %mul3A_2, %mul3A_164 : i32
        %dma_wait3A_166 = arith.constant 0 : i32
        %dma_wait3A_167 = tpu.memref_slice %arg5[%add3A_165, %dma_wait3A_166] : memref<524288x128xf32, #tpu.memory_space<hbm>> -> memref<64x128xf32, #tpu.memory_space<hbm>>
        %dma_wait3A_168 = arith.constant 0 : i32
        %dma_wait3A_169 = tpu.memref_slice %arg5[%add3A_165, %dma_wait3A_168] : memref<524288x128xf32, #tpu.memory_space<hbm>> -> memref<64x128xf32, #tpu.memory_space<hbm>>
        tpu.wait_dma2 semaphore(%arg19 : memref<!tpu.dma_semaphore, #tpu.memory_space<semaphore_mem>>) src(%arg11 : memref<64x128xf32, #tpu.memory_space<vmem>>) dst(%dma_wait3A_169 : memref<64x128xf32, #tpu.memory_space<hbm>>)
      } else {
      }
      %add3A_67 = arith.constant 2 : i32
      %add3A_68 = arith.addi %add3A_61, %add3A_67 : i32
      %lt3A_69 = arith.constant 256 : i32
      %lt3A_70 = arith.cmpi slt, %add3A_68, %lt3A_69 : i32
      %convert_element_type3A_71 = arith.extui %lt3A_70 : i1 to i32
      %cond3A_72 = arith.constant 0 : i32
      %cond3A_73 = arith.cmpi ne, %convert_element_type3A_71, %cond3A_72 : i32
      scf.if %cond3A_73 {
        %add3A_162 = arith.constant 2 : i32
        %add3A_163 = arith.addi %add3A_61, %add3A_162 : i32
        %mul3A_164 = arith.constant 64 : i32
        %mul3A_165 = arith.muli %add3A_163, %mul3A_164 : i32
        %dma_start3A_166 = tpu.memref_slice %arg6[%mul3A_165] : memref<16384xi32, #tpu.memory_space<vmem>> -> memref<64xi32, #tpu.memory_space<vmem>>
        %dma_start3A_167 = arith.constant 0 : i32
        %dma_start3A_168 = arith.constant 0 : i32
        %dma_start3A_169 = tpu.memref_slice %arg3[%dma_start3A_167, %dma_start3A_168] : memref<100000x128xf32, #tpu.memory_space<hbm>> -> memref<100000x128xf32, #tpu.memory_space<hbm>>
        tpu.enqueue_indirect_dma source(%dma_start3A_169 : memref<100000x128xf32, #tpu.memory_space<hbm>>) target(%arg11 : memref<64x128xf32, #tpu.memory_space<vmem>>) offsets(%dma_start3A_166 : memref<64xi32, #tpu.memory_space<vmem>>) semaphore(%arg15 : memref<!tpu.dma_semaphore, #tpu.memory_space<semaphore_mem>>)
      } else {
      }
      %mul3A_74 = arith.constant 64 : i32
      %mul3A_75 = arith.muli %add3A_61, %mul3A_74 : i32
      %dma_wait3A_76 = tpu.memref_slice %arg6[%mul3A_75] : memref<16384xi32, #tpu.memory_space<vmem>> -> memref<64xi32, #tpu.memory_space<vmem>>
      %dma_wait3A_77 = arith.constant 0 : i32
      %dma_wait3A_78 = arith.constant 0 : i32
      %dma_wait3A_79 = tpu.memref_slice %arg3[%dma_wait3A_77, %dma_wait3A_78] : memref<100000x128xf32, #tpu.memory_space<hbm>> -> memref<100000x128xf32, #tpu.memory_space<hbm>>
      tpu.wait_indirect_dma semaphore(%arg13 : memref<!tpu.dma_semaphore, #tpu.memory_space<semaphore_mem>>) src(%dma_wait3A_79 : memref<100000x128xf32, #tpu.memory_space<hbm>>) dst(%arg9 : memref<64x128xf32, #tpu.memory_space<vmem>>)
      %mul3A_80 = arith.constant 64 : i32
      %mul3A_81 = arith.muli %add3A_61, %mul3A_80 : i32
      %rem3A_82 = arith.constant 512 : i32
      %rem3A_83 = arith.remsi %mul3A_81, %rem3A_82 : i32
      %parallel_loop3A_84 = arith.constant 0 : i32
      %parallel_loop3A_85 = arith.constant 64 : i32
      %parallel_loop3A_86 = arith.constant 1 : i32
      scf.for %parallel_loop3A_162 = %parallel_loop3A_84 to %parallel_loop3A_85 step %parallel_loop3A_86  : i32 {
        %parallel_loop3A_163 = arith.index_cast %parallel_loop3A_162 : i32 to index
        %parallel_loop3A_164 = arith.constant 0 : index
        %parallel_loop3A_165 = tpu.vector_load %arg9[%parallel_loop3A_163, %parallel_loop3A_164] {strides = array<i32>} : memref<64x128xf32, #tpu.memory_space<vmem>>, vector<1x16xf32>,
        %parallel_loop3A_166 = vector.shape_cast %parallel_loop3A_165 : vector<1x16xf32> to vector<16xf32>
        %parallel_loop3A_167 = arith.index_cast %parallel_loop3A_162 : i32 to index
        %parallel_loop3A_168 = arith.constant 16 : index
        %parallel_loop3A_169 = tpu.vector_load %arg9[%parallel_loop3A_167, %parallel_loop3A_168] {strides = array<i32>} : memref<64x128xf32, #tpu.memory_space<vmem>>, vector<1x16xf32>,
        %parallel_loop3A_170 = vector.shape_cast %parallel_loop3A_169 : vector<1x16xf32> to vector<16xf32>
        %parallel_loop3A_171 = arith.index_cast %parallel_loop3A_162 : i32 to index
        %parallel_loop3A_172 = arith.constant 32 : index
        %parallel_loop3A_173 = tpu.vector_load %arg9[%parallel_loop3A_171, %parallel_loop3A_172] {strides = array<i32>} : memref<64x128xf32, #tpu.memory_space<vmem>>, vector<1x16xf32>,
        %parallel_loop3A_174 = vector.shape_cast %parallel_loop3A_173 : vector<1x16xf32> to vector<16xf32>
        %parallel_loop3A_175 = arith.index_cast %parallel_loop3A_162 : i32 to index
        %parallel_loop3A_176 = arith.constant 48 : index
        %parallel_loop3A_177 = tpu.vector_load %arg9[%parallel_loop3A_175, %parallel_loop3A_176] {strides = array<i32>} : memref<64x128xf32, #tpu.memory_space<vmem>>, vector<1x16xf32>,
        %parallel_loop3A_178 = vector.shape_cast %parallel_loop3A_177 : vector<1x16xf32> to vector<16xf32>
        %parallel_loop3A_179 = arith.index_cast %parallel_loop3A_162 : i32 to index
        %parallel_loop3A_180 = arith.constant 64 : index
        %parallel_loop3A_181 = tpu.vector_load %arg9[%parallel_loop3A_179, %parallel_loop3A_180] {strides = array<i32>} : memref<64x128xf32, #tpu.memory_space<vmem>>, vector<1x16xf32>,
        %parallel_loop3A_182 = vector.shape_cast %parallel_loop3A_181 : vector<1x16xf32> to vector<16xf32>
        %parallel_loop3A_183 = arith.index_cast %parallel_loop3A_162 : i32 to index
        %parallel_loop3A_184 = arith.constant 80 : index
        %parallel_loop3A_185 = tpu.vector_load %arg9[%parallel_loop3A_183, %parallel_loop3A_184] {strides = array<i32>} : memref<64x128xf32, #tpu.memory_space<vmem>>, vector<1x16xf32>,
        %parallel_loop3A_186 = vector.shape_cast %parallel_loop3A_185 : vector<1x16xf32> to vector<16xf32>
        %parallel_loop3A_187 = arith.index_cast %parallel_loop3A_162 : i32 to index
        %parallel_loop3A_188 = arith.constant 96 : index
        %parallel_loop3A_189 = tpu.vector_load %arg9[%parallel_loop3A_187, %parallel_loop3A_188] {strides = array<i32>} : memref<64x128xf32, #tpu.memory_space<vmem>>, vector<1x16xf32>,
        %parallel_loop3A_190 = vector.shape_cast %parallel_loop3A_189 : vector<1x16xf32> to vector<16xf32>
        %parallel_loop3A_191 = arith.index_cast %parallel_loop3A_162 : i32 to index
        %parallel_loop3A_192 = arith.constant 112 : index
        %parallel_loop3A_193 = tpu.vector_load %arg9[%parallel_loop3A_191, %parallel_loop3A_192] {strides = array<i32>} : memref<64x128xf32, #tpu.memory_space<vmem>>, vector<1x16xf32>,
        %parallel_loop3A_194 = vector.shape_cast %parallel_loop3A_193 : vector<1x16xf32> to vector<16xf32>
        %parallel_loop3A_195 = arith.addi %rem3A_83, %parallel_loop3A_162 : i32
        %parallel_loop3A_196 = arith.index_cast %parallel_loop3A_195 : i32 to index
        %parallel_loop3A_197 = arith.constant 0 : index
        %parallel_loop3A_198 = tpu.vector_load %arg7[%parallel_loop3A_196, %parallel_loop3A_197] {strides = array<i32>} : memref<512x128xf32, #tpu.memory_space<vmem>>, vector<1x16xf32>,
        %parallel_loop3A_199 = vector.shape_cast %parallel_loop3A_198 : vector<1x16xf32> to vector<16xf32>
        %parallel_loop3A_200 = arith.addi %rem3A_83, %parallel_loop3A_162 : i32
        %parallel_loop3A_201 = arith.index_cast %parallel_loop3A_200 : i32 to index
        %parallel_loop3A_202 = arith.constant 16 : index
        %parallel_loop3A_203 = tpu.vector_load %arg7[%parallel_loop3A_201, %parallel_loop3A_202] {strides = array<i32>} : memref<512x128xf32, #tpu.memory_space<vmem>>, vector<1x16xf32>,
        %parallel_loop3A_204 = vector.shape_cast %parallel_loop3A_203 : vector<1x16xf32> to vector<16xf32>
        %parallel_loop3A_205 = arith.addi %rem3A_83, %parallel_loop3A_162 : i32
        %parallel_loop3A_206 = arith.index_cast %parallel_loop3A_205 : i32 to index
        %parallel_loop3A_207 = arith.constant 32 : index
        %parallel_loop3A_208 = tpu.vector_load %arg7[%parallel_loop3A_206, %parallel_loop3A_207] {strides = array<i32>} : memref<512x128xf32, #tpu.memory_space<vmem>>, vector<1x16xf32>,
        %parallel_loop3A_209 = vector.shape_cast %parallel_loop3A_208 : vector<1x16xf32> to vector<16xf32>
        %parallel_loop3A_210 = arith.addi %rem3A_83, %parallel_loop3A_162 : i32
        %parallel_loop3A_211 = arith.index_cast %parallel_loop3A_210 : i32 to index
        %parallel_loop3A_212 = arith.constant 48 : index
        %parallel_loop3A_213 = tpu.vector_load %arg7[%parallel_loop3A_211, %parallel_loop3A_212] {strides = array<i32>} : memref<512x128xf32, #tpu.memory_space<vmem>>, vector<1x16xf32>,
        %parallel_loop3A_214 = vector.shape_cast %parallel_loop3A_213 : vector<1x16xf32> to vector<16xf32>
        %parallel_loop3A_215 = arith.addi %rem3A_83, %parallel_loop3A_162 : i32
        %parallel_loop3A_216 = arith.index_cast %parallel_loop3A_215 : i32 to index
        %parallel_loop3A_217 = arith.constant 64 : index
        %parallel_loop3A_218 = tpu.vector_load %arg7[%parallel_loop3A_216, %parallel_loop3A_217] {strides = array<i32>} : memref<512x128xf32, #tpu.memory_space<vmem>>, vector<1x16xf32>,
        %parallel_loop3A_219 = vector.shape_cast %parallel_loop3A_218 : vector<1x16xf32> to vector<16xf32>
        %parallel_loop3A_220 = arith.addi %rem3A_83, %parallel_loop3A_162 : i32
        %parallel_loop3A_221 = arith.index_cast %parallel_loop3A_220 : i32 to index
        %parallel_loop3A_222 = arith.constant 80 : index
        %parallel_loop3A_223 = tpu.vector_load %arg7[%parallel_loop3A_221, %parallel_loop3A_222] {strides = array<i32>} : memref<512x128xf32, #tpu.memory_space<vmem>>, vector<1x16xf32>,
        %parallel_loop3A_224 = vector.shape_cast %parallel_loop3A_223 : vector<1x16xf32> to vector<16xf32>
        %parallel_loop3A_225 = arith.addi %rem3A_83, %parallel_loop3A_162 : i32
        %parallel_loop3A_226 = arith.index_cast %parallel_loop3A_225 : i32 to index
        %parallel_loop3A_227 = arith.constant 96 : index
        %parallel_loop3A_228 = tpu.vector_load %arg7[%parallel_loop3A_226, %parallel_loop3A_227] {strides = array<i32>} : memref<512x128xf32, #tpu.memory_space<vmem>>, vector<1x16xf32>,
        %parallel_loop3A_229 = vector.shape_cast %parallel_loop3A_228 : vector<1x16xf32> to vector<16xf32>
        %parallel_loop3A_230 = arith.addi %rem3A_83, %parallel_loop3A_162 : i32
        %parallel_loop3A_231 = arith.index_cast %parallel_loop3A_230 : i32 to index
        %parallel_loop3A_232 = arith.constant 112 : index
        %parallel_loop3A_233 = tpu.vector_load %arg7[%parallel_loop3A_231, %parallel_loop3A_232] {strides = array<i32>} : memref<512x128xf32, #tpu.memory_space<vmem>>, vector<1x16xf32>,
        %parallel_loop3A_234 = vector.shape_cast %parallel_loop3A_233 : vector<1x16xf32> to vector<16xf32>
        %parallel_loop3A_235 = arith.constant 11.3137083 : f32
        %parallel_loop3A_236 = vector.broadcast %parallel_loop3A_235 : f32 to vector<16xf32>
        %parallel_loop3A_237 = arith.mulf %parallel_loop3A_166, %parallel_loop3A_236 : vector<16xf32>
        %parallel_loop3A_238 = arith.addf %parallel_loop3A_237, %parallel_loop3A_199 : vector<16xf32>
        %parallel_loop3A_239 = arith.index_cast %parallel_loop3A_162 : i32 to index
        %parallel_loop3A_240 = arith.constant 0 : index
        %parallel_loop3A_241 = tpu.vector_load %arg9[%parallel_loop3A_239, %parallel_loop3A_240] {strides = array<i32>} : memref<64x128xf32, #tpu.memory_space<vmem>>, vector<1x16xf32>,
        %parallel_loop3A_242 = vector.shape_cast %parallel_loop3A_241 : vector<1x16xf32> to vector<16xf32>
        %parallel_loop3A_243 = vector.shape_cast %parallel_loop3A_238 : vector<16xf32> to vector<1x16xf32>
        tpu.vector_store %arg9[%parallel_loop3A_239, %parallel_loop3A_240], %parallel_loop3A_243 {strides = array<i32>} : memref<64x128xf32, #tpu.memory_space<vmem>>, vector<1x16xf32>,
        %parallel_loop3A_244 = arith.constant 11.3137083 : f32
        %parallel_loop3A_245 = vector.broadcast %parallel_loop3A_244 : f32 to vector<16xf32>
        %parallel_loop3A_246 = arith.mulf %parallel_loop3A_170, %parallel_loop3A_245 : vector<16xf32>
        %parallel_loop3A_247 = arith.addf %parallel_loop3A_246, %parallel_loop3A_204 : vector<16xf32>
        %parallel_loop3A_248 = arith.index_cast %parallel_loop3A_162 : i32 to index
        %parallel_loop3A_249 = arith.constant 16 : index
        %parallel_loop3A_250 = tpu.vector_load %arg9[%parallel_loop3A_248, %parallel_loop3A_249] {strides = array<i32>} : memref<64x128xf32, #tpu.memory_space<vmem>>, vector<1x16xf32>,
        %parallel_loop3A_251 = vector.shape_cast %parallel_loop3A_250 : vector<1x16xf32> to vector<16xf32>
        %parallel_loop3A_252 = vector.shape_cast %parallel_loop3A_247 : vector<16xf32> to vector<1x16xf32>
        tpu.vector_store %arg9[%parallel_loop3A_248, %parallel_loop3A_249], %parallel_loop3A_252 {strides = array<i32>} : memref<64x128xf32, #tpu.memory_space<vmem>>, vector<1x16xf32>,
        %parallel_loop3A_253 = arith.constant 11.3137083 : f32
        %parallel_loop3A_254 = vector.broadcast %parallel_loop3A_253 : f32 to vector<16xf32>
        %parallel_loop3A_255 = arith.mulf %parallel_loop3A_174, %parallel_loop3A_254 : vector<16xf32>
        %parallel_loop3A_256 = arith.addf %parallel_loop3A_255, %parallel_loop3A_209 : vector<16xf32>
        %parallel_loop3A_257 = arith.index_cast %parallel_loop3A_162 : i32 to index
        %parallel_loop3A_258 = arith.constant 32 : index
        %parallel_loop3A_259 = tpu.vector_load %arg9[%parallel_loop3A_257, %parallel_loop3A_258] {strides = array<i32>} : memref<64x128xf32, #tpu.memory_space<vmem>>, vector<1x16xf32>,
        %parallel_loop3A_260 = vector.shape_cast %parallel_loop3A_259 : vector<1x16xf32> to vector<16xf32>
        %parallel_loop3A_261 = vector.shape_cast %parallel_loop3A_256 : vector<16xf32> to vector<1x16xf32>
        tpu.vector_store %arg9[%parallel_loop3A_257, %parallel_loop3A_258], %parallel_loop3A_261 {strides = array<i32>} : memref<64x128xf32, #tpu.memory_space<vmem>>, vector<1x16xf32>,
        %parallel_loop3A_262 = arith.constant 11.3137083 : f32
        %parallel_loop3A_263 = vector.broadcast %parallel_loop3A_262 : f32 to vector<16xf32>
        %parallel_loop3A_264 = arith.mulf %parallel_loop3A_178, %parallel_loop3A_263 : vector<16xf32>
        %parallel_loop3A_265 = arith.addf %parallel_loop3A_264, %parallel_loop3A_214 : vector<16xf32>
        %parallel_loop3A_266 = arith.index_cast %parallel_loop3A_162 : i32 to index
        %parallel_loop3A_267 = arith.constant 48 : index
        %parallel_loop3A_268 = tpu.vector_load %arg9[%parallel_loop3A_266, %parallel_loop3A_267] {strides = array<i32>} : memref<64x128xf32, #tpu.memory_space<vmem>>, vector<1x16xf32>,
        %parallel_loop3A_269 = vector.shape_cast %parallel_loop3A_268 : vector<1x16xf32> to vector<16xf32>
        %parallel_loop3A_270 = vector.shape_cast %parallel_loop3A_265 : vector<16xf32> to vector<1x16xf32>
        tpu.vector_store %arg9[%parallel_loop3A_266, %parallel_loop3A_267], %parallel_loop3A_270 {strides = array<i32>} : memref<64x128xf32, #tpu.memory_space<vmem>>, vector<1x16xf32>,
        %parallel_loop3A_271 = arith.constant 11.3137083 : f32
        %parallel_loop3A_272 = vector.broadcast %parallel_loop3A_271 : f32 to vector<16xf32>
        %parallel_loop3A_273 = arith.mulf %parallel_loop3A_182, %parallel_loop3A_272 : vector<16xf32>
        %parallel_loop3A_274 = arith.addf %parallel_loop3A_273, %parallel_loop3A_219 : vector<16xf32>
        %parallel_loop3A_275 = arith.index_cast %parallel_loop3A_162 : i32 to index
        %parallel_loop3A_276 = arith.constant 64 : index
        %parallel_loop3A_277 = tpu.vector_load %arg9[%parallel_loop3A_275, %parallel_loop3A_276] {strides = array<i32>} : memref<64x128xf32, #tpu.memory_space<vmem>>, vector<1x16xf32>,
        %parallel_loop3A_278 = vector.shape_cast %parallel_loop3A_277 : vector<1x16xf32> to vector<16xf32>
        %parallel_loop3A_279 = vector.shape_cast %parallel_loop3A_274 : vector<16xf32> to vector<1x16xf32>
        tpu.vector_store %arg9[%parallel_loop3A_275, %parallel_loop3A_276], %parallel_loop3A_279 {strides = array<i32>} : memref<64x128xf32, #tpu.memory_space<vmem>>, vector<1x16xf32>,
        %parallel_loop3A_280 = arith.constant 11.3137083 : f32
        %parallel_loop3A_281 = vector.broadcast %parallel_loop3A_280 : f32 to vector<16xf32>
        %parallel_loop3A_282 = arith.mulf %parallel_loop3A_186, %parallel_loop3A_281 : vector<16xf32>
        %parallel_loop3A_283 = arith.addf %parallel_loop3A_282, %parallel_loop3A_224 : vector<16xf32>
        %parallel_loop3A_284 = arith.index_cast %parallel_loop3A_162 : i32 to index
        %parallel_loop3A_285 = arith.constant 80 : index
        %parallel_loop3A_286 = tpu.vector_load %arg9[%parallel_loop3A_284, %parallel_loop3A_285] {strides = array<i32>} : memref<64x128xf32, #tpu.memory_space<vmem>>, vector<1x16xf32>,
        %parallel_loop3A_287 = vector.shape_cast %parallel_loop3A_286 : vector<1x16xf32> to vector<16xf32>
        %parallel_loop3A_288 = vector.shape_cast %parallel_loop3A_283 : vector<16xf32> to vector<1x16xf32>
        tpu.vector_store %arg9[%parallel_loop3A_284, %parallel_loop3A_285], %parallel_loop3A_288 {strides = array<i32>} : memref<64x128xf32, #tpu.memory_space<vmem>>, vector<1x16xf32>,
        %parallel_loop3A_289 = arith.constant 11.3137083 : f32
        %parallel_loop3A_290 = vector.broadcast %parallel_loop3A_289 : f32 to vector<16xf32>
        %parallel_loop3A_291 = arith.mulf %parallel_loop3A_190, %parallel_loop3A_290 : vector<16xf32>
        %parallel_loop3A_292 = arith.addf %parallel_loop3A_291, %parallel_loop3A_229 : vector<16xf32>
        %parallel_loop3A_293 = arith.index_cast %parallel_loop3A_162 : i32 to index
        %parallel_loop3A_294 = arith.constant 96 : index
        %parallel_loop3A_295 = tpu.vector_load %arg9[%parallel_loop3A_293, %parallel_loop3A_294] {strides = array<i32>} : memref<64x128xf32, #tpu.memory_space<vmem>>, vector<1x16xf32>,
        %parallel_loop3A_296 = vector.shape_cast %parallel_loop3A_295 : vector<1x16xf32> to vector<16xf32>
        %parallel_loop3A_297 = vector.shape_cast %parallel_loop3A_292 : vector<16xf32> to vector<1x16xf32>
        tpu.vector_store %arg9[%parallel_loop3A_293, %parallel_loop3A_294], %parallel_loop3A_297 {strides = array<i32>} : memref<64x128xf32, #tpu.memory_space<vmem>>, vector<1x16xf32>,
        %parallel_loop3A_298 = arith.constant 11.3137083 : f32
        %parallel_loop3A_299 = vector.broadcast %parallel_loop3A_298 : f32 to vector<16xf32>
        %parallel_loop3A_300 = arith.mulf %parallel_loop3A_194, %parallel_loop3A_299 : vector<16xf32>
        %parallel_loop3A_301 = arith.addf %parallel_loop3A_300, %parallel_loop3A_234 : vector<16xf32>
        %parallel_loop3A_302 = arith.index_cast %parallel_loop3A_162 : i32 to index
        %parallel_loop3A_303 = arith.constant 112 : index
        %parallel_loop3A_304 = tpu.vector_load %arg9[%parallel_loop3A_302, %parallel_loop3A_303] {strides = array<i32>} : memref<64x128xf32, #tpu.memory_space<vmem>>, vector<1x16xf32>,
        %parallel_loop3A_305 = vector.shape_cast %parallel_loop3A_304 : vector<1x16xf32> to vector<16xf32>
        %parallel_loop3A_306 = vector.shape_cast %parallel_loop3A_301 : vector<16xf32> to vector<1x16xf32>
        tpu.vector_store %arg9[%parallel_loop3A_302, %parallel_loop3A_303], %parallel_loop3A_306 {strides = array<i32>} : memref<64x128xf32, #tpu.memory_space<vmem>>, vector<1x16xf32>,
      } {sc.loop_unroll_factor = 2 : i64, sc.parallel_access}
      %mul3A_87 = arith.constant 64 : i32
      %mul3A_88 = arith.muli %add3A_61, %mul3A_87 : i32
      %add3A_89 = arith.addi %mul3A_2, %mul3A_88 : i32
      %dma_start3A_90 = arith.constant 0 : i32
      %dma_start3A_91 = tpu.memref_slice %arg5[%add3A_89, %dma_start3A_90] : memref<524288x128xf32, #tpu.memory_space<hbm>> -> memref<64x128xf32, #tpu.memory_space<hbm>>
      %dma_start3A_92 = arith.constant 0 : i32
      %dma_start3A_93 = tpu.memref_slice %arg5[%add3A_89, %dma_start3A_92] : memref<524288x128xf32, #tpu.memory_space<hbm>> -> memref<64x128xf32, #tpu.memory_space<hbm>>
      tpu.enqueue_dma source(%arg9 : memref<64x128xf32, #tpu.memory_space<vmem>>) target(%dma_start3A_93 : memref<64x128xf32, #tpu.memory_space<hbm>>) target_semaphore(%arg17 : memref<!tpu.dma_semaphore, #tpu.memory_space<semaphore_mem>>)
      %add3A_94 = arith.constant 2 : i32
      %add3A_95 = arith.addi %add3A_31, %add3A_94 : i32
      %ge3A_96 = arith.constant 2 : i32
      %ge3A_97 = arith.cmpi sge, %add3A_95, %ge3A_96 : i32
      %convert_element_type3A_98 = arith.extui %ge3A_97 : i1 to i32
      %cond3A_99 = arith.constant 0 : i32
      %cond3A_100 = arith.cmpi ne, %convert_element_type3A_98, %cond3A_99 : i32
      scf.if %cond3A_100 {
        %sub3A = arith.constant 2 : i32
        %sub3A_162 = arith.subi %add3A_95, %sub3A : i32
        %mul3A_163 = arith.constant 64 : i32
        %mul3A_164 = arith.muli %sub3A_162, %mul3A_163 : i32
        %add3A_165 = arith.addi %mul3A_2, %mul3A_164 : i32
        %dma_wait3A_166 = arith.constant 0 : i32
        %dma_wait3A_167 = tpu.memref_slice %arg5[%add3A_165, %dma_wait3A_166] : memref<524288x128xf32, #tpu.memory_space<hbm>> -> memref<64x128xf32, #tpu.memory_space<hbm>>
        %dma_wait3A_168 = arith.constant 0 : i32
        %dma_wait3A_169 = tpu.memref_slice %arg5[%add3A_165, %dma_wait3A_168] : memref<524288x128xf32, #tpu.memory_space<hbm>> -> memref<64x128xf32, #tpu.memory_space<hbm>>
        tpu.wait_dma2 semaphore(%arg16 : memref<!tpu.dma_semaphore, #tpu.memory_space<semaphore_mem>>) src(%arg8 : memref<64x128xf32, #tpu.memory_space<vmem>>) dst(%dma_wait3A_169 : memref<64x128xf32, #tpu.memory_space<hbm>>)
      } else {
      }
      %add3A_101 = arith.constant 2 : i32
      %add3A_102 = arith.addi %add3A_95, %add3A_101 : i32
      %lt3A_103 = arith.constant 256 : i32
      %lt3A_104 = arith.cmpi slt, %add3A_102, %lt3A_103 : i32
      %convert_element_type3A_105 = arith.extui %lt3A_104 : i1 to i32
      %cond3A_106 = arith.constant 0 : i32
      %cond3A_107 = arith.cmpi ne, %convert_element_type3A_105, %cond3A_106 : i32
      scf.if %cond3A_107 {
        %add3A_162 = arith.constant 2 : i32
        %add3A_163 = arith.addi %add3A_95, %add3A_162 : i32
        %mul3A_164 = arith.constant 64 : i32
        %mul3A_165 = arith.muli %add3A_163, %mul3A_164 : i32
        %dma_start3A_166 = tpu.memref_slice %arg6[%mul3A_165] : memref<16384xi32, #tpu.memory_space<vmem>> -> memref<64xi32, #tpu.memory_space<vmem>>
        %dma_start3A_167 = arith.constant 0 : i32
        %dma_start3A_168 = arith.constant 0 : i32
        %dma_start3A_169 = tpu.memref_slice %arg3[%dma_start3A_167, %dma_start3A_168] : memref<100000x128xf32, #tpu.memory_space<hbm>> -> memref<100000x128xf32, #tpu.memory_space<hbm>>
        tpu.enqueue_indirect_dma source(%dma_start3A_169 : memref<100000x128xf32, #tpu.memory_space<hbm>>) target(%arg8 : memref<64x128xf32, #tpu.memory_space<vmem>>) offsets(%dma_start3A_166 : memref<64xi32, #tpu.memory_space<vmem>>) semaphore(%arg12 : memref<!tpu.dma_semaphore, #tpu.memory_space<semaphore_mem>>)
      } else {
      }
      %mul3A_108 = arith.constant 64 : i32
      %mul3A_109 = arith.muli %add3A_95, %mul3A_108 : i32
      %dma_wait3A_110 = tpu.memref_slice %arg6[%mul3A_109] : memref<16384xi32, #tpu.memory_space<vmem>> -> memref<64xi32, #tpu.memory_space<vmem>>
      %dma_wait3A_111 = arith.constant 0 : i32
      %dma_wait3A_112 = arith.constant 0 : i32
      %dma_wait3A_113 = tpu.memref_slice %arg3[%dma_wait3A_111, %dma_wait3A_112] : memref<100000x128xf32, #tpu.memory_space<hbm>> -> memref<100000x128xf32, #tpu.memory_space<hbm>>
      tpu.wait_indirect_dma semaphore(%arg14 : memref<!tpu.dma_semaphore, #tpu.memory_space<semaphore_mem>>) src(%dma_wait3A_113 : memref<100000x128xf32, #tpu.memory_space<hbm>>) dst(%arg10 : memref<64x128xf32, #tpu.memory_space<vmem>>)
      %mul3A_114 = arith.constant 64 : i32
      %mul3A_115 = arith.muli %add3A_95, %mul3A_114 : i32
      %rem3A_116 = arith.constant 512 : i32
      %rem3A_117 = arith.remsi %mul3A_115, %rem3A_116 : i32
      %parallel_loop3A_118 = arith.constant 0 : i32
      %parallel_loop3A_119 = arith.constant 64 : i32
      %parallel_loop3A_120 = arith.constant 1 : i32
      scf.for %parallel_loop3A_162 = %parallel_loop3A_118 to %parallel_loop3A_119 step %parallel_loop3A_120  : i32 {
        %parallel_loop3A_163 = arith.index_cast %parallel_loop3A_162 : i32 to index
        %parallel_loop3A_164 = arith.constant 0 : index
        %parallel_loop3A_165 = tpu.vector_load %arg10[%parallel_loop3A_163, %parallel_loop3A_164] {strides = array<i32>} : memref<64x128xf32, #tpu.memory_space<vmem>>, vector<1x16xf32>,
        %parallel_loop3A_166 = vector.shape_cast %parallel_loop3A_165 : vector<1x16xf32> to vector<16xf32>
        %parallel_loop3A_167 = arith.index_cast %parallel_loop3A_162 : i32 to index
        %parallel_loop3A_168 = arith.constant 16 : index
        %parallel_loop3A_169 = tpu.vector_load %arg10[%parallel_loop3A_167, %parallel_loop3A_168] {strides = array<i32>} : memref<64x128xf32, #tpu.memory_space<vmem>>, vector<1x16xf32>,
        %parallel_loop3A_170 = vector.shape_cast %parallel_loop3A_169 : vector<1x16xf32> to vector<16xf32>
        %parallel_loop3A_171 = arith.index_cast %parallel_loop3A_162 : i32 to index
        %parallel_loop3A_172 = arith.constant 32 : index
        %parallel_loop3A_173 = tpu.vector_load %arg10[%parallel_loop3A_171, %parallel_loop3A_172] {strides = array<i32>} : memref<64x128xf32, #tpu.memory_space<vmem>>, vector<1x16xf32>,
        %parallel_loop3A_174 = vector.shape_cast %parallel_loop3A_173 : vector<1x16xf32> to vector<16xf32>
        %parallel_loop3A_175 = arith.index_cast %parallel_loop3A_162 : i32 to index
        %parallel_loop3A_176 = arith.constant 48 : index
        %parallel_loop3A_177 = tpu.vector_load %arg10[%parallel_loop3A_175, %parallel_loop3A_176] {strides = array<i32>} : memref<64x128xf32, #tpu.memory_space<vmem>>, vector<1x16xf32>,
        %parallel_loop3A_178 = vector.shape_cast %parallel_loop3A_177 : vector<1x16xf32> to vector<16xf32>
        %parallel_loop3A_179 = arith.index_cast %parallel_loop3A_162 : i32 to index
        %parallel_loop3A_180 = arith.constant 64 : index
        %parallel_loop3A_181 = tpu.vector_load %arg10[%parallel_loop3A_179, %parallel_loop3A_180] {strides = array<i32>} : memref<64x128xf32, #tpu.memory_space<vmem>>, vector<1x16xf32>,
        %parallel_loop3A_182 = vector.shape_cast %parallel_loop3A_181 : vector<1x16xf32> to vector<16xf32>
        %parallel_loop3A_183 = arith.index_cast %parallel_loop3A_162 : i32 to index
        %parallel_loop3A_184 = arith.constant 80 : index
        %parallel_loop3A_185 = tpu.vector_load %arg10[%parallel_loop3A_183, %parallel_loop3A_184] {strides = array<i32>} : memref<64x128xf32, #tpu.memory_space<vmem>>, vector<1x16xf32>,
        %parallel_loop3A_186 = vector.shape_cast %parallel_loop3A_185 : vector<1x16xf32> to vector<16xf32>
        %parallel_loop3A_187 = arith.index_cast %parallel_loop3A_162 : i32 to index
        %parallel_loop3A_188 = arith.constant 96 : index
        %parallel_loop3A_189 = tpu.vector_load %arg10[%parallel_loop3A_187, %parallel_loop3A_188] {strides = array<i32>} : memref<64x128xf32, #tpu.memory_space<vmem>>, vector<1x16xf32>,
        %parallel_loop3A_190 = vector.shape_cast %parallel_loop3A_189 : vector<1x16xf32> to vector<16xf32>
        %parallel_loop3A_191 = arith.index_cast %parallel_loop3A_162 : i32 to index
        %parallel_loop3A_192 = arith.constant 112 : index
        %parallel_loop3A_193 = tpu.vector_load %arg10[%parallel_loop3A_191, %parallel_loop3A_192] {strides = array<i32>} : memref<64x128xf32, #tpu.memory_space<vmem>>, vector<1x16xf32>,
        %parallel_loop3A_194 = vector.shape_cast %parallel_loop3A_193 : vector<1x16xf32> to vector<16xf32>
        %parallel_loop3A_195 = arith.addi %rem3A_117, %parallel_loop3A_162 : i32
        %parallel_loop3A_196 = arith.index_cast %parallel_loop3A_195 : i32 to index
        %parallel_loop3A_197 = arith.constant 0 : index
        %parallel_loop3A_198 = tpu.vector_load %arg7[%parallel_loop3A_196, %parallel_loop3A_197] {strides = array<i32>} : memref<512x128xf32, #tpu.memory_space<vmem>>, vector<1x16xf32>,
        %parallel_loop3A_199 = vector.shape_cast %parallel_loop3A_198 : vector<1x16xf32> to vector<16xf32>
        %parallel_loop3A_200 = arith.addi %rem3A_117, %parallel_loop3A_162 : i32
        %parallel_loop3A_201 = arith.index_cast %parallel_loop3A_200 : i32 to index
        %parallel_loop3A_202 = arith.constant 16 : index
        %parallel_loop3A_203 = tpu.vector_load %arg7[%parallel_loop3A_201, %parallel_loop3A_202] {strides = array<i32>} : memref<512x128xf32, #tpu.memory_space<vmem>>, vector<1x16xf32>,
        %parallel_loop3A_204 = vector.shape_cast %parallel_loop3A_203 : vector<1x16xf32> to vector<16xf32>
        %parallel_loop3A_205 = arith.addi %rem3A_117, %parallel_loop3A_162 : i32
        %parallel_loop3A_206 = arith.index_cast %parallel_loop3A_205 : i32 to index
        %parallel_loop3A_207 = arith.constant 32 : index
        %parallel_loop3A_208 = tpu.vector_load %arg7[%parallel_loop3A_206, %parallel_loop3A_207] {strides = array<i32>} : memref<512x128xf32, #tpu.memory_space<vmem>>, vector<1x16xf32>,
        %parallel_loop3A_209 = vector.shape_cast %parallel_loop3A_208 : vector<1x16xf32> to vector<16xf32>
        %parallel_loop3A_210 = arith.addi %rem3A_117, %parallel_loop3A_162 : i32
        %parallel_loop3A_211 = arith.index_cast %parallel_loop3A_210 : i32 to index
        %parallel_loop3A_212 = arith.constant 48 : index
        %parallel_loop3A_213 = tpu.vector_load %arg7[%parallel_loop3A_211, %parallel_loop3A_212] {strides = array<i32>} : memref<512x128xf32, #tpu.memory_space<vmem>>, vector<1x16xf32>,
        %parallel_loop3A_214 = vector.shape_cast %parallel_loop3A_213 : vector<1x16xf32> to vector<16xf32>
        %parallel_loop3A_215 = arith.addi %rem3A_117, %parallel_loop3A_162 : i32
        %parallel_loop3A_216 = arith.index_cast %parallel_loop3A_215 : i32 to index
        %parallel_loop3A_217 = arith.constant 64 : index
        %parallel_loop3A_218 = tpu.vector_load %arg7[%parallel_loop3A_216, %parallel_loop3A_217] {strides = array<i32>} : memref<512x128xf32, #tpu.memory_space<vmem>>, vector<1x16xf32>,
        %parallel_loop3A_219 = vector.shape_cast %parallel_loop3A_218 : vector<1x16xf32> to vector<16xf32>
        %parallel_loop3A_220 = arith.addi %rem3A_117, %parallel_loop3A_162 : i32
        %parallel_loop3A_221 = arith.index_cast %parallel_loop3A_220 : i32 to index
        %parallel_loop3A_222 = arith.constant 80 : index
        %parallel_loop3A_223 = tpu.vector_load %arg7[%parallel_loop3A_221, %parallel_loop3A_222] {strides = array<i32>} : memref<512x128xf32, #tpu.memory_space<vmem>>, vector<1x16xf32>,
        %parallel_loop3A_224 = vector.shape_cast %parallel_loop3A_223 : vector<1x16xf32> to vector<16xf32>
        %parallel_loop3A_225 = arith.addi %rem3A_117, %parallel_loop3A_162 : i32
        %parallel_loop3A_226 = arith.index_cast %parallel_loop3A_225 : i32 to index
        %parallel_loop3A_227 = arith.constant 96 : index
        %parallel_loop3A_228 = tpu.vector_load %arg7[%parallel_loop3A_226, %parallel_loop3A_227] {strides = array<i32>} : memref<512x128xf32, #tpu.memory_space<vmem>>, vector<1x16xf32>,
        %parallel_loop3A_229 = vector.shape_cast %parallel_loop3A_228 : vector<1x16xf32> to vector<16xf32>
        %parallel_loop3A_230 = arith.addi %rem3A_117, %parallel_loop3A_162 : i32
        %parallel_loop3A_231 = arith.index_cast %parallel_loop3A_230 : i32 to index
        %parallel_loop3A_232 = arith.constant 112 : index
        %parallel_loop3A_233 = tpu.vector_load %arg7[%parallel_loop3A_231, %parallel_loop3A_232] {strides = array<i32>} : memref<512x128xf32, #tpu.memory_space<vmem>>, vector<1x16xf32>,
        %parallel_loop3A_234 = vector.shape_cast %parallel_loop3A_233 : vector<1x16xf32> to vector<16xf32>
        %parallel_loop3A_235 = arith.constant 11.3137083 : f32
        %parallel_loop3A_236 = vector.broadcast %parallel_loop3A_235 : f32 to vector<16xf32>
        %parallel_loop3A_237 = arith.mulf %parallel_loop3A_166, %parallel_loop3A_236 : vector<16xf32>
        %parallel_loop3A_238 = arith.addf %parallel_loop3A_237, %parallel_loop3A_199 : vector<16xf32>
        %parallel_loop3A_239 = arith.index_cast %parallel_loop3A_162 : i32 to index
        %parallel_loop3A_240 = arith.constant 0 : index
        %parallel_loop3A_241 = tpu.vector_load %arg10[%parallel_loop3A_239, %parallel_loop3A_240] {strides = array<i32>} : memref<64x128xf32, #tpu.memory_space<vmem>>, vector<1x16xf32>,
        %parallel_loop3A_242 = vector.shape_cast %parallel_loop3A_241 : vector<1x16xf32> to vector<16xf32>
        %parallel_loop3A_243 = vector.shape_cast %parallel_loop3A_238 : vector<16xf32> to vector<1x16xf32>
        tpu.vector_store %arg10[%parallel_loop3A_239, %parallel_loop3A_240], %parallel_loop3A_243 {strides = array<i32>} : memref<64x128xf32, #tpu.memory_space<vmem>>, vector<1x16xf32>,
        %parallel_loop3A_244 = arith.constant 11.3137083 : f32
        %parallel_loop3A_245 = vector.broadcast %parallel_loop3A_244 : f32 to vector<16xf32>
        %parallel_loop3A_246 = arith.mulf %parallel_loop3A_170, %parallel_loop3A_245 : vector<16xf32>
        %parallel_loop3A_247 = arith.addf %parallel_loop3A_246, %parallel_loop3A_204 : vector<16xf32>
        %parallel_loop3A_248 = arith.index_cast %parallel_loop3A_162 : i32 to index
        %parallel_loop3A_249 = arith.constant 16 : index
        %parallel_loop3A_250 = tpu.vector_load %arg10[%parallel_loop3A_248, %parallel_loop3A_249] {strides = array<i32>} : memref<64x128xf32, #tpu.memory_space<vmem>>, vector<1x16xf32>,
        %parallel_loop3A_251 = vector.shape_cast %parallel_loop3A_250 : vector<1x16xf32> to vector<16xf32>
        %parallel_loop3A_252 = vector.shape_cast %parallel_loop3A_247 : vector<16xf32> to vector<1x16xf32>
        tpu.vector_store %arg10[%parallel_loop3A_248, %parallel_loop3A_249], %parallel_loop3A_252 {strides = array<i32>} : memref<64x128xf32, #tpu.memory_space<vmem>>, vector<1x16xf32>,
        %parallel_loop3A_253 = arith.constant 11.3137083 : f32
        %parallel_loop3A_254 = vector.broadcast %parallel_loop3A_253 : f32 to vector<16xf32>
        %parallel_loop3A_255 = arith.mulf %parallel_loop3A_174, %parallel_loop3A_254 : vector<16xf32>
        %parallel_loop3A_256 = arith.addf %parallel_loop3A_255, %parallel_loop3A_209 : vector<16xf32>
        %parallel_loop3A_257 = arith.index_cast %parallel_loop3A_162 : i32 to index
        %parallel_loop3A_258 = arith.constant 32 : index
        %parallel_loop3A_259 = tpu.vector_load %arg10[%parallel_loop3A_257, %parallel_loop3A_258] {strides = array<i32>} : memref<64x128xf32, #tpu.memory_space<vmem>>, vector<1x16xf32>,
        %parallel_loop3A_260 = vector.shape_cast %parallel_loop3A_259 : vector<1x16xf32> to vector<16xf32>
        %parallel_loop3A_261 = vector.shape_cast %parallel_loop3A_256 : vector<16xf32> to vector<1x16xf32>
        tpu.vector_store %arg10[%parallel_loop3A_257, %parallel_loop3A_258], %parallel_loop3A_261 {strides = array<i32>} : memref<64x128xf32, #tpu.memory_space<vmem>>, vector<1x16xf32>,
        %parallel_loop3A_262 = arith.constant 11.3137083 : f32
        %parallel_loop3A_263 = vector.broadcast %parallel_loop3A_262 : f32 to vector<16xf32>
        %parallel_loop3A_264 = arith.mulf %parallel_loop3A_178, %parallel_loop3A_263 : vector<16xf32>
        %parallel_loop3A_265 = arith.addf %parallel_loop3A_264, %parallel_loop3A_214 : vector<16xf32>
        %parallel_loop3A_266 = arith.index_cast %parallel_loop3A_162 : i32 to index
        %parallel_loop3A_267 = arith.constant 48 : index
        %parallel_loop3A_268 = tpu.vector_load %arg10[%parallel_loop3A_266, %parallel_loop3A_267] {strides = array<i32>} : memref<64x128xf32, #tpu.memory_space<vmem>>, vector<1x16xf32>,
        %parallel_loop3A_269 = vector.shape_cast %parallel_loop3A_268 : vector<1x16xf32> to vector<16xf32>
        %parallel_loop3A_270 = vector.shape_cast %parallel_loop3A_265 : vector<16xf32> to vector<1x16xf32>
        tpu.vector_store %arg10[%parallel_loop3A_266, %parallel_loop3A_267], %parallel_loop3A_270 {strides = array<i32>} : memref<64x128xf32, #tpu.memory_space<vmem>>, vector<1x16xf32>,
        %parallel_loop3A_271 = arith.constant 11.3137083 : f32
        %parallel_loop3A_272 = vector.broadcast %parallel_loop3A_271 : f32 to vector<16xf32>
        %parallel_loop3A_273 = arith.mulf %parallel_loop3A_182, %parallel_loop3A_272 : vector<16xf32>
        %parallel_loop3A_274 = arith.addf %parallel_loop3A_273, %parallel_loop3A_219 : vector<16xf32>
        %parallel_loop3A_275 = arith.index_cast %parallel_loop3A_162 : i32 to index
        %parallel_loop3A_276 = arith.constant 64 : index
        %parallel_loop3A_277 = tpu.vector_load %arg10[%parallel_loop3A_275, %parallel_loop3A_276] {strides = array<i32>} : memref<64x128xf32, #tpu.memory_space<vmem>>, vector<1x16xf32>,
        %parallel_loop3A_278 = vector.shape_cast %parallel_loop3A_277 : vector<1x16xf32> to vector<16xf32>
        %parallel_loop3A_279 = vector.shape_cast %parallel_loop3A_274 : vector<16xf32> to vector<1x16xf32>
        tpu.vector_store %arg10[%parallel_loop3A_275, %parallel_loop3A_276], %parallel_loop3A_279 {strides = array<i32>} : memref<64x128xf32, #tpu.memory_space<vmem>>, vector<1x16xf32>,
        %parallel_loop3A_280 = arith.constant 11.3137083 : f32
        %parallel_loop3A_281 = vector.broadcast %parallel_loop3A_280 : f32 to vector<16xf32>
        %parallel_loop3A_282 = arith.mulf %parallel_loop3A_186, %parallel_loop3A_281 : vector<16xf32>
        %parallel_loop3A_283 = arith.addf %parallel_loop3A_282, %parallel_loop3A_224 : vector<16xf32>
        %parallel_loop3A_284 = arith.index_cast %parallel_loop3A_162 : i32 to index
        %parallel_loop3A_285 = arith.constant 80 : index
        %parallel_loop3A_286 = tpu.vector_load %arg10[%parallel_loop3A_284, %parallel_loop3A_285] {strides = array<i32>} : memref<64x128xf32, #tpu.memory_space<vmem>>, vector<1x16xf32>,
        %parallel_loop3A_287 = vector.shape_cast %parallel_loop3A_286 : vector<1x16xf32> to vector<16xf32>
        %parallel_loop3A_288 = vector.shape_cast %parallel_loop3A_283 : vector<16xf32> to vector<1x16xf32>
        tpu.vector_store %arg10[%parallel_loop3A_284, %parallel_loop3A_285], %parallel_loop3A_288 {strides = array<i32>} : memref<64x128xf32, #tpu.memory_space<vmem>>, vector<1x16xf32>,
        %parallel_loop3A_289 = arith.constant 11.3137083 : f32
        %parallel_loop3A_290 = vector.broadcast %parallel_loop3A_289 : f32 to vector<16xf32>
        %parallel_loop3A_291 = arith.mulf %parallel_loop3A_190, %parallel_loop3A_290 : vector<16xf32>
        %parallel_loop3A_292 = arith.addf %parallel_loop3A_291, %parallel_loop3A_229 : vector<16xf32>
        %parallel_loop3A_293 = arith.index_cast %parallel_loop3A_162 : i32 to index
        %parallel_loop3A_294 = arith.constant 96 : index
        %parallel_loop3A_295 = tpu.vector_load %arg10[%parallel_loop3A_293, %parallel_loop3A_294] {strides = array<i32>} : memref<64x128xf32, #tpu.memory_space<vmem>>, vector<1x16xf32>,
        %parallel_loop3A_296 = vector.shape_cast %parallel_loop3A_295 : vector<1x16xf32> to vector<16xf32>
        %parallel_loop3A_297 = vector.shape_cast %parallel_loop3A_292 : vector<16xf32> to vector<1x16xf32>
        tpu.vector_store %arg10[%parallel_loop3A_293, %parallel_loop3A_294], %parallel_loop3A_297 {strides = array<i32>} : memref<64x128xf32, #tpu.memory_space<vmem>>, vector<1x16xf32>,
        %parallel_loop3A_298 = arith.constant 11.3137083 : f32
        %parallel_loop3A_299 = vector.broadcast %parallel_loop3A_298 : f32 to vector<16xf32>
        %parallel_loop3A_300 = arith.mulf %parallel_loop3A_194, %parallel_loop3A_299 : vector<16xf32>
        %parallel_loop3A_301 = arith.addf %parallel_loop3A_300, %parallel_loop3A_234 : vector<16xf32>
        %parallel_loop3A_302 = arith.index_cast %parallel_loop3A_162 : i32 to index
        %parallel_loop3A_303 = arith.constant 112 : index
        %parallel_loop3A_304 = tpu.vector_load %arg10[%parallel_loop3A_302, %parallel_loop3A_303] {strides = array<i32>} : memref<64x128xf32, #tpu.memory_space<vmem>>, vector<1x16xf32>,
        %parallel_loop3A_305 = vector.shape_cast %parallel_loop3A_304 : vector<1x16xf32> to vector<16xf32>
        %parallel_loop3A_306 = vector.shape_cast %parallel_loop3A_301 : vector<16xf32> to vector<1x16xf32>
        tpu.vector_store %arg10[%parallel_loop3A_302, %parallel_loop3A_303], %parallel_loop3A_306 {strides = array<i32>} : memref<64x128xf32, #tpu.memory_space<vmem>>, vector<1x16xf32>,
      } {sc.loop_unroll_factor = 2 : i64, sc.parallel_access}
      %mul3A_121 = arith.constant 64 : i32
      %mul3A_122 = arith.muli %add3A_95, %mul3A_121 : i32
      %add3A_123 = arith.addi %mul3A_2, %mul3A_122 : i32
      %dma_start3A_124 = arith.constant 0 : i32
      %dma_start3A_125 = tpu.memref_slice %arg5[%add3A_123, %dma_start3A_124] : memref<524288x128xf32, #tpu.memory_space<hbm>> -> memref<64x128xf32, #tpu.memory_space<hbm>>
      %dma_start3A_126 = arith.constant 0 : i32
      %dma_start3A_127 = tpu.memref_slice %arg5[%add3A_123, %dma_start3A_126] : memref<524288x128xf32, #tpu.memory_space<hbm>> -> memref<64x128xf32, #tpu.memory_space<hbm>>
      tpu.enqueue_dma source(%arg10 : memref<64x128xf32, #tpu.memory_space<vmem>>) target(%dma_start3A_127 : memref<64x128xf32, #tpu.memory_space<hbm>>) target_semaphore(%arg18 : memref<!tpu.dma_semaphore, #tpu.memory_space<semaphore_mem>>)
      %add3A_128 = arith.constant 3 : i32
      %add3A_129 = arith.addi %add3A_31, %add3A_128 : i32
      %ge3A_130 = arith.constant 2 : i32
      %ge3A_131 = arith.cmpi sge, %add3A_129, %ge3A_130 : i32
      %convert_element_type3A_132 = arith.extui %ge3A_131 : i1 to i32
      %cond3A_133 = arith.constant 0 : i32
      %cond3A_134 = arith.cmpi ne, %convert_element_type3A_132, %cond3A_133 : i32
      scf.if %cond3A_134 {
        %sub3A = arith.constant 2 : i32
        %sub3A_162 = arith.subi %add3A_129, %sub3A : i32
        %mul3A_163 = arith.constant 64 : i32
        %mul3A_164 = arith.muli %sub3A_162, %mul3A_163 : i32
        %add3A_165 = arith.addi %mul3A_2, %mul3A_164 : i32
        %dma_wait3A_166 = arith.constant 0 : i32
        %dma_wait3A_167 = tpu.memref_slice %arg5[%add3A_165, %dma_wait3A_166] : memref<524288x128xf32, #tpu.memory_space<hbm>> -> memref<64x128xf32, #tpu.memory_space<hbm>>
        %dma_wait3A_168 = arith.constant 0 : i32
        %dma_wait3A_169 = tpu.memref_slice %arg5[%add3A_165, %dma_wait3A_168] : memref<524288x128xf32, #tpu.memory_space<hbm>> -> memref<64x128xf32, #tpu.memory_space<hbm>>
        tpu.wait_dma2 semaphore(%arg17 : memref<!tpu.dma_semaphore, #tpu.memory_space<semaphore_mem>>) src(%arg9 : memref<64x128xf32, #tpu.memory_space<vmem>>) dst(%dma_wait3A_169 : memref<64x128xf32, #tpu.memory_space<hbm>>)
      } else {
      }
      %add3A_135 = arith.constant 2 : i32
      %add3A_136 = arith.addi %add3A_129, %add3A_135 : i32
      %lt3A_137 = arith.constant 256 : i32
      %lt3A_138 = arith.cmpi slt, %add3A_136, %lt3A_137 : i32
      %convert_element_type3A_139 = arith.extui %lt3A_138 : i1 to i32
      %cond3A_140 = arith.constant 0 : i32
      %cond3A_141 = arith.cmpi ne, %convert_element_type3A_139, %cond3A_140 : i32
      scf.if %cond3A_141 {
        %add3A_162 = arith.constant 2 : i32
        %add3A_163 = arith.addi %add3A_129, %add3A_162 : i32
        %mul3A_164 = arith.constant 64 : i32
        %mul3A_165 = arith.muli %add3A_163, %mul3A_164 : i32
        %dma_start3A_166 = tpu.memref_slice %arg6[%mul3A_165] : memref<16384xi32, #tpu.memory_space<vmem>> -> memref<64xi32, #tpu.memory_space<vmem>>
        %dma_start3A_167 = arith.constant 0 : i32
        %dma_start3A_168 = arith.constant 0 : i32
        %dma_start3A_169 = tpu.memref_slice %arg3[%dma_start3A_167, %dma_start3A_168] : memref<100000x128xf32, #tpu.memory_space<hbm>> -> memref<100000x128xf32, #tpu.memory_space<hbm>>
        tpu.enqueue_indirect_dma source(%dma_start3A_169 : memref<100000x128xf32, #tpu.memory_space<hbm>>) target(%arg9 : memref<64x128xf32, #tpu.memory_space<vmem>>) offsets(%dma_start3A_166 : memref<64xi32, #tpu.memory_space<vmem>>) semaphore(%arg13 : memref<!tpu.dma_semaphore, #tpu.memory_space<semaphore_mem>>)
      } else {
      }
      %mul3A_142 = arith.constant 64 : i32
      %mul3A_143 = arith.muli %add3A_129, %mul3A_142 : i32
      %dma_wait3A_144 = tpu.memref_slice %arg6[%mul3A_143] : memref<16384xi32, #tpu.memory_space<vmem>> -> memref<64xi32, #tpu.memory_space<vmem>>
      %dma_wait3A_145 = arith.constant 0 : i32
      %dma_wait3A_146 = arith.constant 0 : i32
      %dma_wait3A_147 = tpu.memref_slice %arg3[%dma_wait3A_145, %dma_wait3A_146] : memref<100000x128xf32, #tpu.memory_space<hbm>> -> memref<100000x128xf32, #tpu.memory_space<hbm>>
      tpu.wait_indirect_dma semaphore(%arg15 : memref<!tpu.dma_semaphore, #tpu.memory_space<semaphore_mem>>) src(%dma_wait3A_147 : memref<100000x128xf32, #tpu.memory_space<hbm>>) dst(%arg11 : memref<64x128xf32, #tpu.memory_space<vmem>>)
      %mul3A_148 = arith.constant 64 : i32
      %mul3A_149 = arith.muli %add3A_129, %mul3A_148 : i32
      %rem3A_150 = arith.constant 512 : i32
      %rem3A_151 = arith.remsi %mul3A_149, %rem3A_150 : i32
      %parallel_loop3A_152 = arith.constant 0 : i32
      %parallel_loop3A_153 = arith.constant 64 : i32
      %parallel_loop3A_154 = arith.constant 1 : i32
      scf.for %parallel_loop3A_162 = %parallel_loop3A_152 to %parallel_loop3A_153 step %parallel_loop3A_154  : i32 {
        %parallel_loop3A_163 = arith.index_cast %parallel_loop3A_162 : i32 to index
        %parallel_loop3A_164 = arith.constant 0 : index
        %parallel_loop3A_165 = tpu.vector_load %arg11[%parallel_loop3A_163, %parallel_loop3A_164] {strides = array<i32>} : memref<64x128xf32, #tpu.memory_space<vmem>>, vector<1x16xf32>,
        %parallel_loop3A_166 = vector.shape_cast %parallel_loop3A_165 : vector<1x16xf32> to vector<16xf32>
        %parallel_loop3A_167 = arith.index_cast %parallel_loop3A_162 : i32 to index
        %parallel_loop3A_168 = arith.constant 16 : index
        %parallel_loop3A_169 = tpu.vector_load %arg11[%parallel_loop3A_167, %parallel_loop3A_168] {strides = array<i32>} : memref<64x128xf32, #tpu.memory_space<vmem>>, vector<1x16xf32>,
        %parallel_loop3A_170 = vector.shape_cast %parallel_loop3A_169 : vector<1x16xf32> to vector<16xf32>
        %parallel_loop3A_171 = arith.index_cast %parallel_loop3A_162 : i32 to index
        %parallel_loop3A_172 = arith.constant 32 : index
        %parallel_loop3A_173 = tpu.vector_load %arg11[%parallel_loop3A_171, %parallel_loop3A_172] {strides = array<i32>} : memref<64x128xf32, #tpu.memory_space<vmem>>, vector<1x16xf32>,
        %parallel_loop3A_174 = vector.shape_cast %parallel_loop3A_173 : vector<1x16xf32> to vector<16xf32>
        %parallel_loop3A_175 = arith.index_cast %parallel_loop3A_162 : i32 to index
        %parallel_loop3A_176 = arith.constant 48 : index
        %parallel_loop3A_177 = tpu.vector_load %arg11[%parallel_loop3A_175, %parallel_loop3A_176] {strides = array<i32>} : memref<64x128xf32, #tpu.memory_space<vmem>>, vector<1x16xf32>,
        %parallel_loop3A_178 = vector.shape_cast %parallel_loop3A_177 : vector<1x16xf32> to vector<16xf32>
        %parallel_loop3A_179 = arith.index_cast %parallel_loop3A_162 : i32 to index
        %parallel_loop3A_180 = arith.constant 64 : index
        %parallel_loop3A_181 = tpu.vector_load %arg11[%parallel_loop3A_179, %parallel_loop3A_180] {strides = array<i32>} : memref<64x128xf32, #tpu.memory_space<vmem>>, vector<1x16xf32>,
        %parallel_loop3A_182 = vector.shape_cast %parallel_loop3A_181 : vector<1x16xf32> to vector<16xf32>
        %parallel_loop3A_183 = arith.index_cast %parallel_loop3A_162 : i32 to index
        %parallel_loop3A_184 = arith.constant 80 : index
        %parallel_loop3A_185 = tpu.vector_load %arg11[%parallel_loop3A_183, %parallel_loop3A_184] {strides = array<i32>} : memref<64x128xf32, #tpu.memory_space<vmem>>, vector<1x16xf32>,
        %parallel_loop3A_186 = vector.shape_cast %parallel_loop3A_185 : vector<1x16xf32> to vector<16xf32>
        %parallel_loop3A_187 = arith.index_cast %parallel_loop3A_162 : i32 to index
        %parallel_loop3A_188 = arith.constant 96 : index
        %parallel_loop3A_189 = tpu.vector_load %arg11[%parallel_loop3A_187, %parallel_loop3A_188] {strides = array<i32>} : memref<64x128xf32, #tpu.memory_space<vmem>>, vector<1x16xf32>,
        %parallel_loop3A_190 = vector.shape_cast %parallel_loop3A_189 : vector<1x16xf32> to vector<16xf32>
        %parallel_loop3A_191 = arith.index_cast %parallel_loop3A_162 : i32 to index
        %parallel_loop3A_192 = arith.constant 112 : index
        %parallel_loop3A_193 = tpu.vector_load %arg11[%parallel_loop3A_191, %parallel_loop3A_192] {strides = array<i32>} : memref<64x128xf32, #tpu.memory_space<vmem>>, vector<1x16xf32>,
        %parallel_loop3A_194 = vector.shape_cast %parallel_loop3A_193 : vector<1x16xf32> to vector<16xf32>
        %parallel_loop3A_195 = arith.addi %rem3A_151, %parallel_loop3A_162 : i32
        %parallel_loop3A_196 = arith.index_cast %parallel_loop3A_195 : i32 to index
        %parallel_loop3A_197 = arith.constant 0 : index
        %parallel_loop3A_198 = tpu.vector_load %arg7[%parallel_loop3A_196, %parallel_loop3A_197] {strides = array<i32>} : memref<512x128xf32, #tpu.memory_space<vmem>>, vector<1x16xf32>,
        %parallel_loop3A_199 = vector.shape_cast %parallel_loop3A_198 : vector<1x16xf32> to vector<16xf32>
        %parallel_loop3A_200 = arith.addi %rem3A_151, %parallel_loop3A_162 : i32
        %parallel_loop3A_201 = arith.index_cast %parallel_loop3A_200 : i32 to index
        %parallel_loop3A_202 = arith.constant 16 : index
        %parallel_loop3A_203 = tpu.vector_load %arg7[%parallel_loop3A_201, %parallel_loop3A_202] {strides = array<i32>} : memref<512x128xf32, #tpu.memory_space<vmem>>, vector<1x16xf32>,
        %parallel_loop3A_204 = vector.shape_cast %parallel_loop3A_203 : vector<1x16xf32> to vector<16xf32>
        %parallel_loop3A_205 = arith.addi %rem3A_151, %parallel_loop3A_162 : i32
        %parallel_loop3A_206 = arith.index_cast %parallel_loop3A_205 : i32 to index
        %parallel_loop3A_207 = arith.constant 32 : index
        %parallel_loop3A_208 = tpu.vector_load %arg7[%parallel_loop3A_206, %parallel_loop3A_207] {strides = array<i32>} : memref<512x128xf32, #tpu.memory_space<vmem>>, vector<1x16xf32>,
        %parallel_loop3A_209 = vector.shape_cast %parallel_loop3A_208 : vector<1x16xf32> to vector<16xf32>
        %parallel_loop3A_210 = arith.addi %rem3A_151, %parallel_loop3A_162 : i32
        %parallel_loop3A_211 = arith.index_cast %parallel_loop3A_210 : i32 to index
        %parallel_loop3A_212 = arith.constant 48 : index
        %parallel_loop3A_213 = tpu.vector_load %arg7[%parallel_loop3A_211, %parallel_loop3A_212] {strides = array<i32>} : memref<512x128xf32, #tpu.memory_space<vmem>>, vector<1x16xf32>,
        %parallel_loop3A_214 = vector.shape_cast %parallel_loop3A_213 : vector<1x16xf32> to vector<16xf32>
        %parallel_loop3A_215 = arith.addi %rem3A_151, %parallel_loop3A_162 : i32
        %parallel_loop3A_216 = arith.index_cast %parallel_loop3A_215 : i32 to index
        %parallel_loop3A_217 = arith.constant 64 : index
        %parallel_loop3A_218 = tpu.vector_load %arg7[%parallel_loop3A_216, %parallel_loop3A_217] {strides = array<i32>} : memref<512x128xf32, #tpu.memory_space<vmem>>, vector<1x16xf32>,
        %parallel_loop3A_219 = vector.shape_cast %parallel_loop3A_218 : vector<1x16xf32> to vector<16xf32>
        %parallel_loop3A_220 = arith.addi %rem3A_151, %parallel_loop3A_162 : i32
        %parallel_loop3A_221 = arith.index_cast %parallel_loop3A_220 : i32 to index
        %parallel_loop3A_222 = arith.constant 80 : index
        %parallel_loop3A_223 = tpu.vector_load %arg7[%parallel_loop3A_221, %parallel_loop3A_222] {strides = array<i32>} : memref<512x128xf32, #tpu.memory_space<vmem>>, vector<1x16xf32>,
        %parallel_loop3A_224 = vector.shape_cast %parallel_loop3A_223 : vector<1x16xf32> to vector<16xf32>
        %parallel_loop3A_225 = arith.addi %rem3A_151, %parallel_loop3A_162 : i32
        %parallel_loop3A_226 = arith.index_cast %parallel_loop3A_225 : i32 to index
        %parallel_loop3A_227 = arith.constant 96 : index
        %parallel_loop3A_228 = tpu.vector_load %arg7[%parallel_loop3A_226, %parallel_loop3A_227] {strides = array<i32>} : memref<512x128xf32, #tpu.memory_space<vmem>>, vector<1x16xf32>,
        %parallel_loop3A_229 = vector.shape_cast %parallel_loop3A_228 : vector<1x16xf32> to vector<16xf32>
        %parallel_loop3A_230 = arith.addi %rem3A_151, %parallel_loop3A_162 : i32
        %parallel_loop3A_231 = arith.index_cast %parallel_loop3A_230 : i32 to index
        %parallel_loop3A_232 = arith.constant 112 : index
        %parallel_loop3A_233 = tpu.vector_load %arg7[%parallel_loop3A_231, %parallel_loop3A_232] {strides = array<i32>} : memref<512x128xf32, #tpu.memory_space<vmem>>, vector<1x16xf32>,
        %parallel_loop3A_234 = vector.shape_cast %parallel_loop3A_233 : vector<1x16xf32> to vector<16xf32>
        %parallel_loop3A_235 = arith.constant 11.3137083 : f32
        %parallel_loop3A_236 = vector.broadcast %parallel_loop3A_235 : f32 to vector<16xf32>
        %parallel_loop3A_237 = arith.mulf %parallel_loop3A_166, %parallel_loop3A_236 : vector<16xf32>
        %parallel_loop3A_238 = arith.addf %parallel_loop3A_237, %parallel_loop3A_199 : vector<16xf32>
        %parallel_loop3A_239 = arith.index_cast %parallel_loop3A_162 : i32 to index
        %parallel_loop3A_240 = arith.constant 0 : index
        %parallel_loop3A_241 = tpu.vector_load %arg11[%parallel_loop3A_239, %parallel_loop3A_240] {strides = array<i32>} : memref<64x128xf32, #tpu.memory_space<vmem>>, vector<1x16xf32>,
        %parallel_loop3A_242 = vector.shape_cast %parallel_loop3A_241 : vector<1x16xf32> to vector<16xf32>
        %parallel_loop3A_243 = vector.shape_cast %parallel_loop3A_238 : vector<16xf32> to vector<1x16xf32>
        tpu.vector_store %arg11[%parallel_loop3A_239, %parallel_loop3A_240], %parallel_loop3A_243 {strides = array<i32>} : memref<64x128xf32, #tpu.memory_space<vmem>>, vector<1x16xf32>,
        %parallel_loop3A_244 = arith.constant 11.3137083 : f32
        %parallel_loop3A_245 = vector.broadcast %parallel_loop3A_244 : f32 to vector<16xf32>
        %parallel_loop3A_246 = arith.mulf %parallel_loop3A_170, %parallel_loop3A_245 : vector<16xf32>
        %parallel_loop3A_247 = arith.addf %parallel_loop3A_246, %parallel_loop3A_204 : vector<16xf32>
        %parallel_loop3A_248 = arith.index_cast %parallel_loop3A_162 : i32 to index
        %parallel_loop3A_249 = arith.constant 16 : index
        %parallel_loop3A_250 = tpu.vector_load %arg11[%parallel_loop3A_248, %parallel_loop3A_249] {strides = array<i32>} : memref<64x128xf32, #tpu.memory_space<vmem>>, vector<1x16xf32>,
        %parallel_loop3A_251 = vector.shape_cast %parallel_loop3A_250 : vector<1x16xf32> to vector<16xf32>
        %parallel_loop3A_252 = vector.shape_cast %parallel_loop3A_247 : vector<16xf32> to vector<1x16xf32>
        tpu.vector_store %arg11[%parallel_loop3A_248, %parallel_loop3A_249], %parallel_loop3A_252 {strides = array<i32>} : memref<64x128xf32, #tpu.memory_space<vmem>>, vector<1x16xf32>,
        %parallel_loop3A_253 = arith.constant 11.3137083 : f32
        %parallel_loop3A_254 = vector.broadcast %parallel_loop3A_253 : f32 to vector<16xf32>
        %parallel_loop3A_255 = arith.mulf %parallel_loop3A_174, %parallel_loop3A_254 : vector<16xf32>
        %parallel_loop3A_256 = arith.addf %parallel_loop3A_255, %parallel_loop3A_209 : vector<16xf32>
        %parallel_loop3A_257 = arith.index_cast %parallel_loop3A_162 : i32 to index
        %parallel_loop3A_258 = arith.constant 32 : index
        %parallel_loop3A_259 = tpu.vector_load %arg11[%parallel_loop3A_257, %parallel_loop3A_258] {strides = array<i32>} : memref<64x128xf32, #tpu.memory_space<vmem>>, vector<1x16xf32>,
        %parallel_loop3A_260 = vector.shape_cast %parallel_loop3A_259 : vector<1x16xf32> to vector<16xf32>
        %parallel_loop3A_261 = vector.shape_cast %parallel_loop3A_256 : vector<16xf32> to vector<1x16xf32>
        tpu.vector_store %arg11[%parallel_loop3A_257, %parallel_loop3A_258], %parallel_loop3A_261 {strides = array<i32>} : memref<64x128xf32, #tpu.memory_space<vmem>>, vector<1x16xf32>,
        %parallel_loop3A_262 = arith.constant 11.3137083 : f32
        %parallel_loop3A_263 = vector.broadcast %parallel_loop3A_262 : f32 to vector<16xf32>
        %parallel_loop3A_264 = arith.mulf %parallel_loop3A_178, %parallel_loop3A_263 : vector<16xf32>
        %parallel_loop3A_265 = arith.addf %parallel_loop3A_264, %parallel_loop3A_214 : vector<16xf32>
        %parallel_loop3A_266 = arith.index_cast %parallel_loop3A_162 : i32 to index
        %parallel_loop3A_267 = arith.constant 48 : index
        %parallel_loop3A_268 = tpu.vector_load %arg11[%parallel_loop3A_266, %parallel_loop3A_267] {strides = array<i32>} : memref<64x128xf32, #tpu.memory_space<vmem>>, vector<1x16xf32>,
        %parallel_loop3A_269 = vector.shape_cast %parallel_loop3A_268 : vector<1x16xf32> to vector<16xf32>
        %parallel_loop3A_270 = vector.shape_cast %parallel_loop3A_265 : vector<16xf32> to vector<1x16xf32>
        tpu.vector_store %arg11[%parallel_loop3A_266, %parallel_loop3A_267], %parallel_loop3A_270 {strides = array<i32>} : memref<64x128xf32, #tpu.memory_space<vmem>>, vector<1x16xf32>,
        %parallel_loop3A_271 = arith.constant 11.3137083 : f32
        %parallel_loop3A_272 = vector.broadcast %parallel_loop3A_271 : f32 to vector<16xf32>
        %parallel_loop3A_273 = arith.mulf %parallel_loop3A_182, %parallel_loop3A_272 : vector<16xf32>
        %parallel_loop3A_274 = arith.addf %parallel_loop3A_273, %parallel_loop3A_219 : vector<16xf32>
        %parallel_loop3A_275 = arith.index_cast %parallel_loop3A_162 : i32 to index
        %parallel_loop3A_276 = arith.constant 64 : index
        %parallel_loop3A_277 = tpu.vector_load %arg11[%parallel_loop3A_275, %parallel_loop3A_276] {strides = array<i32>} : memref<64x128xf32, #tpu.memory_space<vmem>>, vector<1x16xf32>,
        %parallel_loop3A_278 = vector.shape_cast %parallel_loop3A_277 : vector<1x16xf32> to vector<16xf32>
        %parallel_loop3A_279 = vector.shape_cast %parallel_loop3A_274 : vector<16xf32> to vector<1x16xf32>
        tpu.vector_store %arg11[%parallel_loop3A_275, %parallel_loop3A_276], %parallel_loop3A_279 {strides = array<i32>} : memref<64x128xf32, #tpu.memory_space<vmem>>, vector<1x16xf32>,
        %parallel_loop3A_280 = arith.constant 11.3137083 : f32
        %parallel_loop3A_281 = vector.broadcast %parallel_loop3A_280 : f32 to vector<16xf32>
        %parallel_loop3A_282 = arith.mulf %parallel_loop3A_186, %parallel_loop3A_281 : vector<16xf32>
        %parallel_loop3A_283 = arith.addf %parallel_loop3A_282, %parallel_loop3A_224 : vector<16xf32>
        %parallel_loop3A_284 = arith.index_cast %parallel_loop3A_162 : i32 to index
        %parallel_loop3A_285 = arith.constant 80 : index
        %parallel_loop3A_286 = tpu.vector_load %arg11[%parallel_loop3A_284, %parallel_loop3A_285] {strides = array<i32>} : memref<64x128xf32, #tpu.memory_space<vmem>>, vector<1x16xf32>,
        %parallel_loop3A_287 = vector.shape_cast %parallel_loop3A_286 : vector<1x16xf32> to vector<16xf32>
        %parallel_loop3A_288 = vector.shape_cast %parallel_loop3A_283 : vector<16xf32> to vector<1x16xf32>
        tpu.vector_store %arg11[%parallel_loop3A_284, %parallel_loop3A_285], %parallel_loop3A_288 {strides = array<i32>} : memref<64x128xf32, #tpu.memory_space<vmem>>, vector<1x16xf32>,
        %parallel_loop3A_289 = arith.constant 11.3137083 : f32
        %parallel_loop3A_290 = vector.broadcast %parallel_loop3A_289 : f32 to vector<16xf32>
        %parallel_loop3A_291 = arith.mulf %parallel_loop3A_190, %parallel_loop3A_290 : vector<16xf32>
        %parallel_loop3A_292 = arith.addf %parallel_loop3A_291, %parallel_loop3A_229 : vector<16xf32>
        %parallel_loop3A_293 = arith.index_cast %parallel_loop3A_162 : i32 to index
        %parallel_loop3A_294 = arith.constant 96 : index
        %parallel_loop3A_295 = tpu.vector_load %arg11[%parallel_loop3A_293, %parallel_loop3A_294] {strides = array<i32>} : memref<64x128xf32, #tpu.memory_space<vmem>>, vector<1x16xf32>,
        %parallel_loop3A_296 = vector.shape_cast %parallel_loop3A_295 : vector<1x16xf32> to vector<16xf32>
        %parallel_loop3A_297 = vector.shape_cast %parallel_loop3A_292 : vector<16xf32> to vector<1x16xf32>
        tpu.vector_store %arg11[%parallel_loop3A_293, %parallel_loop3A_294], %parallel_loop3A_297 {strides = array<i32>} : memref<64x128xf32, #tpu.memory_space<vmem>>, vector<1x16xf32>,
        %parallel_loop3A_298 = arith.constant 11.3137083 : f32
        %parallel_loop3A_299 = vector.broadcast %parallel_loop3A_298 : f32 to vector<16xf32>
        %parallel_loop3A_300 = arith.mulf %parallel_loop3A_194, %parallel_loop3A_299 : vector<16xf32>
        %parallel_loop3A_301 = arith.addf %parallel_loop3A_300, %parallel_loop3A_234 : vector<16xf32>
        %parallel_loop3A_302 = arith.index_cast %parallel_loop3A_162 : i32 to index
        %parallel_loop3A_303 = arith.constant 112 : index
        %parallel_loop3A_304 = tpu.vector_load %arg11[%parallel_loop3A_302, %parallel_loop3A_303] {strides = array<i32>} : memref<64x128xf32, #tpu.memory_space<vmem>>, vector<1x16xf32>,
        %parallel_loop3A_305 = vector.shape_cast %parallel_loop3A_304 : vector<1x16xf32> to vector<16xf32>
        %parallel_loop3A_306 = vector.shape_cast %parallel_loop3A_301 : vector<16xf32> to vector<1x16xf32>
        tpu.vector_store %arg11[%parallel_loop3A_302, %parallel_loop3A_303], %parallel_loop3A_306 {strides = array<i32>} : memref<64x128xf32, #tpu.memory_space<vmem>>, vector<1x16xf32>,
      } {sc.loop_unroll_factor = 2 : i64, sc.parallel_access}
      %mul3A_155 = arith.constant 64 : i32
      %mul3A_156 = arith.muli %add3A_129, %mul3A_155 : i32
      %add3A_157 = arith.addi %mul3A_2, %mul3A_156 : i32
      %dma_start3A_158 = arith.constant 0 : i32
      %dma_start3A_159 = tpu.memref_slice %arg5[%add3A_157, %dma_start3A_158] : memref<524288x128xf32, #tpu.memory_space<hbm>> -> memref<64x128xf32, #tpu.memory_space<hbm>>
      %dma_start3A_160 = arith.constant 0 : i32
      %dma_start3A_161 = tpu.memref_slice %arg5[%add3A_157, %dma_start3A_160] : memref<524288x128xf32, #tpu.memory_space<hbm>> -> memref<64x128xf32, #tpu.memory_space<hbm>>
      tpu.enqueue_dma source(%arg11 : memref<64x128xf32, #tpu.memory_space<vmem>>) target(%dma_start3A_161 : memref<64x128xf32, #tpu.memory_space<hbm>>) target_semaphore(%arg19 : memref<!tpu.dma_semaphore, #tpu.memory_space<semaphore_mem>>)
    }
    %scan3A_15 = arith.constant 64 : i32
    %add3A_16 = arith.constant 16256 : i32
    %add3A_17 = arith.addi %mul3A_2, %add3A_16 : i32
    %dma_wait3A = arith.constant 0 : i32
    %dma_wait3A_18 = tpu.memref_slice %arg5[%add3A_17, %dma_wait3A] : memref<524288x128xf32, #tpu.memory_space<hbm>> -> memref<64x128xf32, #tpu.memory_space<hbm>>
    %dma_wait3A_19 = arith.constant 0 : i32
    %dma_wait3A_20 = tpu.memref_slice %arg5[%add3A_17, %dma_wait3A_19] : memref<524288x128xf32, #tpu.memory_space<hbm>> -> memref<64x128xf32, #tpu.memory_space<hbm>>
    tpu.wait_dma2 semaphore(%arg18 : memref<!tpu.dma_semaphore, #tpu.memory_space<semaphore_mem>>) src(%arg10 : memref<64x128xf32, #tpu.memory_space<vmem>>) dst(%dma_wait3A_20 : memref<64x128xf32, #tpu.memory_space<hbm>>)
    %add3A_21 = arith.constant 16320 : i32
    %add3A_22 = arith.addi %mul3A_2, %add3A_21 : i32
    %dma_wait3A_23 = arith.constant 0 : i32
    %dma_wait3A_24 = tpu.memref_slice %arg5[%add3A_22, %dma_wait3A_23] : memref<524288x128xf32, #tpu.memory_space<hbm>> -> memref<64x128xf32, #tpu.memory_space<hbm>>
    %dma_wait3A_25 = arith.constant 0 : i32
    %dma_wait3A_26 = tpu.memref_slice %arg5[%add3A_22, %dma_wait3A_25] : memref<524288x128xf32, #tpu.memory_space<hbm>> -> memref<64x128xf32, #tpu.memory_space<hbm>>
    tpu.wait_dma2 semaphore(%arg19 : memref<!tpu.dma_semaphore, #tpu.memory_space<semaphore_mem>>) src(%arg11 : memref<64x128xf32, #tpu.memory_space<vmem>>) dst(%dma_wait3A_26 : memref<64x128xf32, #tpu.memory_space<hbm>>)
    return
  }
}

</mosaic_0001>

<sc_bundles>
// kernel: kernel.3.cloned.1.call-start
scs
__scs_entry_jumppad:
0x0: {  	(pc) =	sbr.rel $0x88, $3  }
0x1: {  	(tag) =	ssettag $0x0;
	lr =	simm.s32 $0x1  }
0x2: {  	[smem:$0x3F9E] =	sst lr;
	_ =	strace $0xD0000000  }
0x3: {  	_ = 	snop  }
0x4: {  	_ = 	snop  }
0x5: {  	_ = 	snop  }
0x6: {  	_ = 	snop  }
0x7: {  	_ = 	snop  }
__scs_overlays_trampoline_lowered:
0x8: {  	[smem:$0x3FAD] =	sst s0  }
0x9: {  	[smem:$0x3FAE] =	sst s1  }
0xa: {  	[smem:$0x3FAF] =	sst s2  }
0xb: {  	[smem:$0x3FB0] =	sst s3  }
0xc: {  	[smem:$0x3FB1] =	sst s4  }
0xd: {  	[smem:$0x3FB2] =	sst s5  }
0xe: {  	[smem:$0x3FB3] =	sst s6  }
0xf: {  	[smem:$0x3FB4] =	sst s7  }
0x10: {  	[smem:$0x3FB5] =	sst s8  }
0x11: {  	[smem:$0x3FB6] =	sst s9;
	s0 =	simm.s32 @!p0 $0x0  }
0x12: {  	s1 =	sld [smem:$0x3F9C];
	s0 =	simm.s32 @p0 $0x1  }
0x13: {  	[smem:$0x3FB7] =	sst s0;
	s0 =	simm.s32 @!p1 $0x0  }
0x14: {  	s2 =	sld [smem:$0x3F9B];
	s0 =	simm.s32 @p1 $0x1  }
0x15: {  	[smem:$0x3FB8] =	sst s0;
	s0 =	simm.s32 @!p2 $0x0  }
0x16: {  	s3 =	sld [smem:$0x3FDB];
	s0 =	simm.s32 @p2 $0x1  }
0x17: {  	s4 =	simm.s32 $0x1BF5;
	[smem:$0x3FBA] =	sst s0  }
0x18: {  	s0 =	sld [smem:$0x3F9D];
	_ =	swait.ge [sflag:s4], $0x0  }
0x19: {  	s7 =	sld [smem:$0x3F9E]  }
0x1a: {  	s8 =	sadd.s32 $0xFFFFE003, lr  }
0x1b: {  	s9 =	sadd.s32 $0xFFFFFEF7, lr;
	s5 =	simm.s32 $0xFFFFFFFF;
	p2 =	slt.u32 s8, $0xFFFFF086  }
0x1c: {  	p1 =	slt.u32 s9, $0xF7A;
	s5 =	simm.s32 @!p2 $0x0  }
0x1d: {  	s5 =	simm.s32 @p1 $0x1;
	p0 =	seq.s32 s7, s2  }
0x1e: {  	s7 =	smul.u32 @!p0 $0xF7A, s2;
	p2 =	seq.s32 @!p0 s5, $0x0  }
0x1f: {  	s9 =	smul.u32 $0xF7A, s1;
	s8 =	simm.s32 @!p0 $0x1BF5;
	p2 =	por !p2, p0  }
0x20: {  	[sflag:s8] =	ssyncset.s32 @!p0 $0xFFFFF086;
	s6 =	sadd.s32 @!p0 s3, s7;
	s7 =	simm.s32 @!p0 $0x108  }
0x21: {  	s3 =	sadd.s32 s3, s9;
	s6 =	sadd.s32 @!p0 $0x88, s6;
	s7 =	simm.s32 @p2 $0x1082  }
0x22: {  	[simem:s7], [sflag:s8] =	dma.local @!p0 [hbm:s6], $0xF7A  }
0x23: {  	s9 =	sor.u32 $0xD0000000, s2;
	s6 =	simm.s32 $0x108;
	_ =	swait.ge @!p0 [sflag:s8], $0x0  }
0x24: {  	s3 =	sadd.s32 $0x88, s3;
	s6 =	simm.s32 @!p1 $0x1082;
	[sflag:s4] =	ssyncset.s32 $0xFFFFF086  }
0x25: {  	[simem:s6], [sflag:s4] =	dma.local [hbm:s3], $0xF7A  }
0x26: {  	[smem:$0x3F9E] =	sst s1;
	(tag) =	ssettag s2;
	_ =	strace s9  }
0x27: {  	s1 =	sld [smem:$0x3FAE]  }
0x28: {  	s2 =	sld [smem:$0x3FAF]  }
0x29: {  	s4 =	sld [smem:$0x3FB1]  }
0x2a: {  	p0 =	seq.s32 s5, $0x0;
	s5 =	sld [smem:$0x3FB2]  }
0x2b: {  	s6 =	sld [smem:$0x3FB3]  }
0x2c: {  	s7 =	sld [smem:$0x3FB4]  }
0x2d: {  	s3 =	simm.s32 $0x108;
	s8 =	sld [smem:$0x3FB5]  }
0x2e: {  	s3 =	simm.s32 @!p0 $0x1082;
	s9 =	sld [smem:$0x3FB6]  }
0x2f: {  	lr =	sadd.s32 s0, s3;
	s0 =	sld [smem:$0x3FAD]  }
0x30: {  	s3 =	sld [smem:$0x3FB0]  }
0x31: {  	[smem:$0x3FB9] =	sst s10  }
0x32: {  	s10 =	sld [smem:$0x3FB7];
	_ =	sdelay $0x3  }
0x33: {  	p0 =	seq.s32 s10, $0x1;
	s10 =	sld [smem:$0x3FB9];
	_ =	sdelay $0x3  }
0x34: {  	[smem:$0x3FB9] =	sst s10  }
0x35: {  	s10 =	sld [smem:$0x3FB8];
	_ =	sdelay $0x3  }
0x36: {  	p1 =	seq.s32 s10, $0x1;
	s10 =	sld [smem:$0x3FB9];
	_ =	sdelay $0x3  }
0x37: {  	[smem:$0x3FB9] =	sst s10  }
0x38: {  	s10 =	sld [smem:$0x3FBA]  }
0x39: {  	_ = 	snop;
	(pc) =	sbr.ind lr, $3  }
0x3a: {  	_ = 	snop  }
0x3b: {  	_ = 	snop  }
0x3c: {  	p2 =	seq.s32 s10, $0x1;
	s10 =	sld [smem:$0x3FB9]  }
0x3d: {  	_ =	shalt  }
0x3e: {  	_ =	shalt  }
0x3f: {  	_ =	shalt  }
0x40: {  	_ =	shalt  }
0x41: {  	_ =	shalt  }
0x42: {  	_ =	shalt  }
0x43: {  	_ =	shalt  }
0x44: {  	_ =	shalt  }
0x45: {  	_ =	shalt  }
0x46: {  	_ =	shalt  }
0x47: {  	_ =	shalt  }
0x48: {  	_ =	shalt  }
0x49: {  	_ =	shalt  }
0x4a: {  	_ =	shalt  }
0x4b: {  	_ =	shalt  }
0x4c: {  	_ =	shalt  }
0x4d: {  	_ =	shalt  }
0x4e: {  	_ =	shalt  }
0x4f: {  	_ =	shalt  }
0x50: {  	_ =	shalt  }
0x51: {  	_ =	shalt  }
0x52: {  	_ =	shalt  }
0x53: {  	_ =	shalt  }
0x54: {  	_ =	shalt  }
0x55: {  	_ =	shalt  }
0x56: {  	_ =	shalt  }
0x57: {  	_ =	shalt  }
0x58: {  	_ =	shalt  }
0x59: {  	_ =	shalt  }
0x5a: {  	_ =	shalt  }
0x5b: {  	_ =	shalt  }
0x5c: {  	_ =	shalt  }
0x5d: {  	_ =	shalt  }
0x5e: {  	_ =	shalt  }
0x5f: {  	_ =	shalt  }
0x60: {  	_ =	shalt  }
0x61: {  	_ =	shalt  }
0x62: {  	_ =	shalt  }
0x63: {  	_ =	shalt  }
0x64: {  	_ =	shalt  }
0x65: {  	_ =	shalt  }
0x66: {  	_ =	shalt  }
0x67: {  	_ =	shalt  }
0x68: {  	_ =	shalt  }
0x69: {  	_ =	shalt  }
0x6a: {  	_ =	shalt  }
0x6b: {  	_ =	shalt  }
0x6c: {  	_ =	shalt  }
0x6d: {  	_ =	shalt  }
0x6e: {  	_ =	shalt  }
0x6f: {  	_ =	shalt  }
0x70: {  	_ =	shalt  }
0x71: {  	_ =	shalt  }
0x72: {  	_ =	shalt  }
0x73: {  	_ =	shalt  }
0x74: {  	_ =	shalt  }
0x75: {  	_ =	shalt  }
0x76: {  	_ =	shalt  }
0x77: {  	_ =	shalt  }
0x78: {  	_ =	shalt  }
0x79: {  	_ =	shalt  }
0x7a: {  	_ =	shalt  }
0x7b: {  	_ =	shalt  }
0x7c: {  	_ =	shalt  }
0x7d: {  	_ =	shalt  }
0x7e: {  	_ =	shalt  }
0x7f: {  	_ =	shalt  }
0x80: {  	_ =	shalt  }
0x81: {  	_ =	shalt  }
0x82: {  	_ =	shalt  }
0x83: {  	_ =	shalt  }
0x84: {  	_ =	shalt  }
0x85: {  	_ =	shalt  }
0x86: {  	_ =	shalt  }
0x87: {  	_ =	shalt  }
.Lfunc_end0:
.L_simem_size_0:
called_computation_lowered:
.L_overlay_start_0:
0x88: {  	s2 =	sld [smem:$0x3FD9]  }
0x89: {  	s3 =	sld [smem:$0x3FFE];
	_ =	sdelay $0x1  }
0x8a: {  	s1 =	srdreg.scid  }
0x8b: {  	s0 =	sand.u32 $0x1, s1  }
0x8c: {  	s17 =	sshll.u32 s0, $0xA;
	s2 =	sadd.s32 s3, s2  }
0x8d: {  	s2 =	sadd.s32 s2, s17  }
0x8e: {  	[smem:$0x3FC5] =	sst s2  }
0x8f: {  	_ = 	snop  }
0x90: {  	s2 =	sld [smem:$0x3FC8]  }
0x91: {  	s18 =	sld [smem:$0x3FC7]  }
0x92: {  	s4 =	sld [smem:$0x3FD0];
	(tm) =	ssettm $0x1  }
0x93: {  	s5 =	sld [smem:$0x3FFB];
	_ =	sdelay $0x3  }
0x94: {  	_ =	strace s5  }
0x95: {  	s5 =	sld [smem:$0x3FFC];
	_ =	sdelay $0x3  }
0x96: {  	_ =	strace s5  }
0x97: {  	s5 =	sld [smem:$0x3FFD];
	_ =	sdelay $0x3  }
0x98: {  	_ =	strace s5  }
0x99: {  	_ =	strace $0x8FFFFFFF  }
0x9a: {  	s19 =	sld [smem:$0x3FDB];
	_ =	sdelay $0x1  }
0x9b: {  	s6 =	simm.s32 $_scs_section_size  }
0x9c: {  	s7 =	simm.s32 $_size__tile_overlayer_lowered;
	s8 =	simm.s32 $_tile_overlayer_lowered  }
0x9d: {  	s22 =	simm.s32 $0x1BFF;
	s21 =	sshll.u32 s8, $0x1;
	s5 =	sadd.s32 s6, s19  }
0x9e: {  	s9 =	simm.s32 $0x0;
	s20 =	sshll.u32 s7, $0x1;
	s7 =	sadd.s32 s21, s5  }
0x9f: {  	[timem:s9], [sflag:s22] =	dma.local [hbm:s7], s20  }
0xa0: {  	_ =	swait.ge [sflag:s22], s20  }
0xa1: {  	s6 =	ssub.s32 $0x0, s20;
	[sflag:s22] =	ssyncset.done $0x0  }
0xa2: {  	[sflag:s22] =	ssyncadd.s32 s6;
	_ =	sdelay $0x1  }
0xa3: {  	s23 =	simm.s32 $0x1B8B  }
0xa4: {  	_ =	swait.ge [sflag:s23], $0x1  }
0xa5: {  	[sflag:s23] =	ssyncset.done $0x0  }
0xa6: {  	s25 =	simm.s32 $0x1B8E;
	s24 =	sld [smem:$0x3FFE];
	[sflag:s23] =	ssyncadd.s32 $0xFFFFFFFF  }
0xa7: {  	s26 =	simm.s32 $execute0_lowered;
	[smem:$0x3FD2] =	sst s25  }
0xa8: {  	s7 =	sshll.u32 s26, $0x1;
	_ =	strace $0x80000046;
	[dreg:$0x1] =	wrdreg $0xFFFFFFFF  }
0xa9: {  	s28 =	simm.s32 $_size_execute0_lowered;
	s5 =	sadd.s32 s5, s7;
	[dreg:$0x0] =	wrdreg $0x0  }
0xaa: {  	s7 =	sshll.u32 s28, $0x1;
	[dreg:$0x2] =	wrdreg s5  }
0xab: {  	[dreg:$0x3] =	wrdreg s7  }
0xac: {  	[dreg:$0x4] =	wrdreg $0xC0  }
0xad: {  	_ =	task [dreg:s9], $0x5FFFF  }
0xae: {  	[dreg:$0x1] =	wrdreg $0xFFFFFFFF  }
0xaf: {  	[dreg:$0x0] =	wrdreg $0x60  }
0xb0: {  	[dreg:$0x2] =	wrdreg s24  }
0xb1: {  	[dreg:$0x3] =	wrdreg s2  }
0xb2: {  	[dreg:$0x4] =	wrdreg s18  }
0xb3: {  	[dreg:$0x5] =	wrdreg s4  }
0xb4: {  	[dreg:$0x6] =	wrdreg $0x9  }
0xb5: {  	_ =	task.clear_ibuf [dreg:s9], $0x7FFFF;
	_ =	strace $0x90000046  }
0xb6: {  	s29 =	simm.s32 $0x9;
	_ =	strace $0x80000048  }
0xb7: {  	_ =	swait.ge [sflag:s29], $0x1  }
0xb8: {  	[sflag:s29] =	ssyncadd.s32 $0xFFFFFFFF  }
0xb9: {  	_ =	strace $0x90000048  }
0xba: {  	_ =	sfence  }
0xbb: {  	s30 =	sld [smem:$0x0];
	_ =	sdelay $0x2  }
0xbc: {  	s31 =	sshll.u32 s1, $0xD;
	s1 =	sshrl.u32 s1, $0x2  }
0xbd: {  	s3 =	sand.u32 $0x4000, s31;
	s1 =	sadd.s32 s1, s30  }
0xbe: {  	s0 =	sor.u32 s3, s0;
	s1 =	sshll.u32 s1, $0x11  }
0xbf: {  	s0 =	sor.u32 s1, s0  }
0xc0: {  	s0 =	sadd.s32 $0x8F2B, s0  }
0xc1: {  	[sflag:s0] =	ssyncadd.remote.s32 $0x1  }
0xc2: {  	_ =	sfence.sel $0xFFFF  }
0xc3: {  	[dreg:$0x0] =	wrdreg $0xFFFFFFFF;
	(pc) =	sbr.abs _section_cstart, $3  }
0xc4: {  	[dreg:$0x1] =	wrdreg $0xFFFFFFFF  }
0xc5: {  	_ =	task.clear_ibuf [dreg:s9], $0x2FFFF;
	_ =	strace $0x9FFFFFFF  }
0xc6: {  	(tm) =	ssettm $0x7FFFFFFF  }
0xc7: {  	_ =	shalt  }
tec
execute0_lowered:
.L_overlay_start_1:
0x0: {  	(tag) =	ssettag $0x1  }
0x1: {  	s0 =	rddreg [dreg:$0x0]  }
0x2: {  	s2 =	rddreg [dreg:$0x1];
	s1 =	srdreg.scid  }
0x3: {  	s4 =	rddreg [dreg:$0x3];
	s3 =	stileid.u32  }
0x4: {  	s5 =	simm.s32 $0x0;
	s9 =	simm.s32 $0x9;
	s11 =	simm.s32 $0x40  }
0x5: {  	s12 =	simm.s32 $0x14000;
	s13 =	simm.s32 $0x16000;
	s14 =	simm.s32 $0x1  }
0x6: {  	s15 =	simm.s32 $0x18000;
	s16 =	simm.s32 $0x1A000;
	s17 =	simm.s32 $0x2  }
0x7: {  	s18 =	simm.s32 $0x5;
	s19 =	simm.s32 $0x3;
	s1 =	sand.u32 $0x1, s1  }
0x8: {  	s3 =	sshll.u32 s3, $0xF;
	s6 =	sshll.u32 s1, $0xE;
	s1 =	ssub.s32 $0x2, s1  }
0x9: {  	s20 =	simm.s32 $0x6;
	s6 =	sor.u32 s6, s3;
	s7 =	sshrl.u32 s1, $0x1  }
0xa: {  	s21 =	simm.s32 $0x4;
	s3 =	sshrl.u32 s6, $0x3;
	s1 =	ssub.s32 s1, s7  }
0xb: {  	[smem:$0x7FF] =	sst s5;
	s0 =	sadd.s32 s3, s0;
	s31 =	smax.u32 s1, $0x1  }
0xc: {  	_ =	strace $0x80000047;
	s0 =	sadd.s32 $0x400, s0;
	[dreg:$0x6] =	wrdreg s31  }
0xd: {  	s23 =	simm.s32 $0x8;
	s24 =	simm.s32 $0x0;
	[dreg:$0x5] =	wrdreg s0  }
.LBB2_1:
0xe: {  	s0 =	rddreg [dreg:$0x5]  }
0xf: {  	[tilespmem:s5], [sflag:$0x9] =	stream.linear.gather [hbm4b:s0+s5], $0x4000, $0x38;
	[tilespmem:$0x1C000] =	vst v63  }
0x10: {  	_ =	swait.ge [sflag:s9], $0x4000  }
0x11: {  	[sflag:s9] =	ssyncset.done $0x0  }
0x12: {  	[sflag:s9] =	ssyncadd.s32 $0xFFFFC000  }
0x13: {  	s1 =	simm.s32 $0x4000;
	s31 =	rddreg [dreg:$0x2]  }
0x14: {  	[tilespmem:s1], [sflag:$0x9] =	stream.linear.gather [hbm4b:s31+s5], $0x10000, $0x38;
	[tilespmem:$0x1C000] =	vst v63  }
0x15: {  	_ =	swait.ge [sflag:s9], $0x10000  }
0x16: {  	[sflag:s9] =	ssyncset.done $0x0  }
0x17: {  	p0 =	por $0x0, $0x0;
	[sflag:s9] =	ssyncadd.s32 $0xFFFF0000  }
0x18: {  	[tilespmem:s12], [sflag:$0x1] =	stream.indirect.gather [hbm4b:s2+s11], $0x80, s5, s11, $0xb8;
	[tilespmem:$0x1C000] =	vst v63  }
0x19: {  	s25 =	simm.s32 $0x0;
	s26 =	simm.s32 $0x0;
	s28 =	simm.s32 $0x0  }
0x1a: {  	[tilespmem:s13], [sflag:$0x2] =	stream.indirect.gather [hbm4b:s2+s11], $0x80, s11, s11, $0xb8;
	[tilespmem:$0x1C000] =	vst v63  }
.LBB2_2:
0x1b: {  	p1 =	seq.s32 s28, $0x0  }
0x1c: {  	s30 =	sshll.u32 s28, $0x2;
	s0 =	simm.s32 @!p1 $0x7  }
0x1d: {  	s1 =	sor.u32 $0x2, s30;
	_ =	swait.ge @!p1 [sflag:s0], $0x2000  }
0x1e: {  	s29 =	sshll.u32 s1, $0x6;
	[sflag:s0] =	ssyncset.done @!p1 $0x0  }
0x1f: {  	s1 =	sand.u32 $0x3FFFFFC0, s29;
	[sflag:s0] =	ssyncadd.s32 @!p1 $0xFFFFE000  }
0x20: {  	[tilespmem:s15], [sflag:$0x3] =	stream.indirect.gather [hbm4b:s2+s11], $0x80, s1, s11, $0xb8;
	[tilespmem:$0x1C000] =	vst v63  }
0x21: {  	_ =	swait.ge [sflag:s14], $0x2000  }
0x22: {  	s0 =	simm.s32 $0x1;
	[sflag:s14] =	ssyncset.done $0x0  }
0x23: {  	s10 =	simm.s32 $0x14080;
	s0 =	simm.s32 @!p0 $0x0;
	[sflag:s14] =	ssyncadd.s32 $0xFFFFE000  }
0x24: {  	s0 =	sshll.u32 s0, $0xF;
	v0 =	vld [tilespmem:s10+$0x70]  }
0x25: {  	s7 =	sor.u32 $0x4080, s0;
	v1 =	vld [tilespmem:s10+$0xFFFFFF90]  }
0x26: {  	v2 =	vld [tilespmem:s7+$0x70]  }
0x27: {  	v3 =	vld [tilespmem:s7+$0x0]  }
0x28: {  	v4 =	vld [tilespmem:s7+$0x10]  }
0x29: {  	v5 =	vld [tilespmem:s7+$0x20]  }
0x2a: {  	v6 =	vld [tilespmem:s7+$0x30]  }
0x2b: {  	v7 =	vld [tilespmem:s7+$0x40]  }
0x2c: {  	v8 =	vld [tilespmem:s7+$0x50]  }
0x2d: {  	v9 =	vld [tilespmem:s7+$0x60]  }
0x2e: {  	v10 =	vld [tilespmem:s10+$0xFFFFFFA0]  }
0x2f: {  	v11 =	vld [tilespmem:s10+$0xFFFFFFB0]  }
0x30: {  	v12 =	vld [tilespmem:s10+$0xFFFFFFC0];
	v0 =	vmul.f32 $1.131370830e+01, v0  }
0x31: {  	v13 =	vld [tilespmem:s10+$0xFFFFFFD0]  }
0x32: {  	v14 =	vld [tilespmem:s10+$0xFFFFFFE0];
	v0 =	vadd.f32 v2, v0  }
0x33: {  	v2 =	vld [tilespmem:s10+$0x10]  }
0x34: {  	[tilespmem:s10+$0x70] =	vst v0;
	v0 =	vld [tilespmem:s10+$0x0]  }
0x35: {  	v17 =	vld [tilespmem:s10+$0x30]  }
0x36: {  	v16 =	vld [tilespmem:s10+$0x20]  }
0x37: {  	v18 =	vld [tilespmem:s10+$0x40]  }
0x38: {  	v19 =	vld [tilespmem:s10+$0x50];
	v2 =	vmul.f32 $1.131370830e+01, v2  }
0x39: {  	v15 =	vld [tilespmem:s10+$0xFFFFFFF0];
	v0 =	vmul.f32 $1.131370830e+01, v0  }
0x3a: {  	v20 =	vld [tilespmem:s10+$0x60];
	v2 =	vadd.f32 v4, v2;
	v4 =	vmul.f32 $1.131370830e+01, v17  }
0x3b: {  	v21 =	vld [tilespmem:s10+$0xFFFFFF80];
	v0 =	vadd.f32 v3, v0;
	v3 =	vmul.f32 $1.131370830e+01, v16  }
0x3c: {  	v60 =	vld [tilespmem:s7+$0xFFFFFFA0];
	[tilespmem:s10+$0x10] =	vst v2;
	v2 =	vadd.f32 v6, v4  }
0x3d: {  	v58 =	vld [tilespmem:s7+$0xFFFFFF80];
	v4 =	vmul.f32 $1.131370830e+01, v19;
	[tilespmem:s10+$0x0] =	vst v0;
	v0 =	vadd.f32 v5, v3;
	v3 =	vmul.f32 $1.131370830e+01, v18  }
0x3e: {  	v59 =	vld [tilespmem:s7+$0xFFFFFF90];
	v61 =	vmul.f32 $1.131370830e+01, v1;
	v10 =	vmul.f32 $1.131370830e+01, v10  }
0x3f: {  	v5 =	vld [tilespmem:s7+$0xFFFFFFB0];
	[tilespmem:s10+$0x30] =	vst v2;
	v4 =	vadd.f32 v8, v4;
	v1 =	vadd.f32 v7, v3;
	v3 =	vmul.f32 $1.131370830e+01, v20  }
0x40: {  	s3 =	sshll.u32 s26, $0xD;
	s8 =	sand.u32 $0x3, s25;
	v62 =	vmul.f32 $1.131370830e+01, v21;
	v6 =	vld [tilespmem:s7+$0xFFFFFFC0];
	[tilespmem:s10+$0x20] =	vst v0  }
0x41: {  	s3 =	sand.u32 $0xE000, s3;
	s22 =	sshll.u32 s8, $0xE;
	v10 =	vadd.f32 v60, v10;
	v2 =	vmul.f32 $1.131370830e+01, v11;
	v7 =	vld [tilespmem:s7+$0xFFFFFFD0];
	[tilespmem:s10+$0x50] =	vst v4;
	v63 =	vadd.f32 v9, v3  }
0x42: {  	s8 =	simm.s32 $0x0;
	s31 =	sadd.s32 $0x4000, s3;
	s1 =	sadd.s32 $0x60F0, s3;
	v8 =	vld [tilespmem:s7+$0xFFFFFFE0];
	v0 =	vmul.f32 $1.131370830e+01, v12;
	v12 =	vadd.f32 v58, v62;
	v4 =	vmul.f32 $1.131370830e+01, v15;
	[tilespmem:s10+$0x40] =	vst v1  }
0x43: {  	s3 =	sshll.u32 s28, $0x8;
	s0 =	sadd.s32 $0x4000, s22;
	s22 =	simm.s32 $0x14180;
	v11 =	vadd.f32 v59, v61;
	v3 =	vmul.f32 $1.131370830e+01, v13;
	v1 =	vmul.f32 $1.131370830e+01, v14;
	v9 =	vld [tilespmem:s7+$0xFFFFFFF0];
	[tilespmem:s10+$0x60] =	vst v63  }
.LBB2_3:
0x44: {  	v13 =	vld [tilespmem:s22+$0x70];
	s8 =	sadd.s32 $0x2, s8;
	[tilespmem:s10+$0xFFFFFF80] =	vst v12;
	v2 =	vadd.f32 v5, v2  }
0x45: {  	s7 =	sadd.s32 $0x100, s7;
	v5 =	vld [tilespmem:s22+$0xFFFFFF90];
	p2 =	slt.u32 s8, $0x3E;
	[tilespmem:s10+$0xFFFFFF90] =	vst v11;
	v0 =	vadd.f32 v6, v0  }
0x46: {  	v6 =	vld [tilespmem:s7+$0x70];
	[tilespmem:s10+$0xFFFFFFA0] =	vst v10;
	v3 =	vadd.f32 v7, v3  }
0x47: {  	v7 =	vld [tilespmem:s7+$0x0];
	[tilespmem:s10+$0xFFFFFFB0] =	vst v2;
	v1 =	vadd.f32 v8, v1  }
0x48: {  	v8 =	vld [tilespmem:s7+$0x10];
	[tilespmem:s10+$0xFFFFFFC0] =	vst v0;
	v0 =	vadd.f32 v9, v4  }
0x49: {  	v9 =	vld [tilespmem:s7+$0x20];
	v2 =	vmul.f32 $1.131370830e+01, v13;
	[tilespmem:s10+$0xFFFFFFD0] =	vst v3  }
0x4a: {  	v10 =	vmul.f32 $1.131370830e+01, v5;
	v5 =	vld [tilespmem:s7+$0x30];
	[tilespmem:s10+$0xFFFFFFE0] =	vst v1  }
0x4b: {  	v11 =	vld [tilespmem:s7+$0x40];
	v1 =	vadd.f32 v6, v2;
	[tilespmem:s10+$0xFFFFFFF0] =	vst v0;
	s10 =	smov.u32 s22  }
0x4c: {  	v12 =	vld [tilespmem:s7+$0x50]  }
0x4d: {  	v13 =	vld [tilespmem:s7+$0x60];
	[tilespmem:s22+$0x70] =	vst v1  }
0x4e: {  	v0 =	vld [tilespmem:s22+$0xFFFFFFA0]  }
0x4f: {  	v1 =	vld [tilespmem:s22+$0xFFFFFFB0]  }
0x50: {  	v3 =	vld [tilespmem:s22+$0xFFFFFFC0]  }
0x51: {  	v4 =	vld [tilespmem:s22+$0xFFFFFFD0]  }
0x52: {  	v6 =	vld [tilespmem:s22+$0xFFFFFFE0]  }
0x53: {  	v14 =	vld [tilespmem:s22+$0xFFFFFFF0];
	v15 =	vmul.f32 $1.131370830e+01, v0  }
0x54: {  	v2 =	vmul.f32 $1.131370830e+01, v1;
	v16 =	vld [tilespmem:s22+$0x0]  }
0x55: {  	v0 =	vmul.f32 $1.131370830e+01, v3;
	v17 =	vld [tilespmem:s22+$0x10]  }
0x56: {  	v3 =	vmul.f32 $1.131370830e+01, v4;
	v18 =	vld [tilespmem:s22+$0x20]  }
0x57: {  	v1 =	vmul.f32 $1.131370830e+01, v6;
	v6 =	vld [tilespmem:s22+$0x30]  }
0x58: {  	v4 =	vmul.f32 $1.131370830e+01, v14;
	v14 =	vld [tilespmem:s22+$0x40]  }
0x59: {  	v19 =	vld [tilespmem:s22+$0x50];
	v16 =	vmul.f32 $1.131370830e+01, v16  }
0x5a: {  	v20 =	vld [tilespmem:s22+$0x60];
	v17 =	vmul.f32 $1.131370830e+01, v17  }
0x5b: {  	v21 =	vld [tilespmem:s22+$0xFFFFFF80];
	v7 =	vadd.f32 v7, v16;
	v16 =	vmul.f32 $1.131370830e+01, v18  }
0x5c: {  	v18 =	vld [tilespmem:s7+$0xFFFFFF80];
	v8 =	vadd.f32 v8, v17;
	v6 =	vmul.f32 $1.131370830e+01, v6  }
0x5d: {  	v17 =	vld [tilespmem:s7+$0xFFFFFF90];
	[tilespmem:s22+$0x0] =	vst v7;
	v7 =	vadd.f32 v9, v16;
	v9 =	vmul.f32 $1.131370830e+01, v14  }
0x5e: {  	v14 =	vld [tilespmem:s7+$0xFFFFFFA0];
	[tilespmem:s22+$0x10] =	vst v8;
	v8 =	vadd.f32 v5, v6;
	v16 =	vmul.f32 $1.131370830e+01, v19  }
.Ltmp0:
0x5f: {  	v5 =	vld [tilespmem:s7+$0xFFFFFFB0];
	[tilespmem:s22+$0x20] =	vst v7;
	v9 =	vadd.f32 v11, v9;
	v11 =	vmul.f32 $1.131370830e+01, v20;
	(pc) =	sbr.rel @p2 .LBB2_3-.Ltmp0, $4  }
0x60: {  	v6 =	vld [tilespmem:s7+$0xFFFFFFC0];
	v19 =	vmul.f32 $1.131370830e+01, v21;
	[tilespmem:s22+$0x30] =	vst v8;
	v16 =	vadd.f32 v12, v16  }
0x61: {  	v7 =	vld [tilespmem:s7+$0xFFFFFFD0];
	[tilespmem:s22+$0x40] =	vst v9;
	v13 =	vadd.f32 v13, v11  }
0x62: {  	v8 =	vld [tilespmem:s7+$0xFFFFFFE0];
	v12 =	vadd.f32 v18, v19;
	v11 =	vadd.f32 v17, v10;
	[tilespmem:s22+$0x50] =	vst v16  }
0x63: {  	s22 =	sadd.s32 $0x100, s22;
	v9 =	vld [tilespmem:s7+$0xFFFFFFF0];
	v10 =	vadd.f32 v14, v15;
	[tilespmem:s10+$0x60] =	vst v13  }
0x64: {  	[tilespmem:s10+$0xFFFFFF80] =	vst v12  }
0x65: {  	v2 =	vadd.f32 v5, v2;
	[tilespmem:s10+$0xFFFFFF90] =	vst v11  }
0x66: {  	v0 =	vadd.f32 v6, v0;
	[tilespmem:s10+$0xFFFFFFA0] =	vst v10  }
0x67: {  	v3 =	vadd.f32 v7, v3;
	[tilespmem:s10+$0xFFFFFFB0] =	vst v2  }
0x68: {  	v1 =	vadd.f32 v8, v1;
	[tilespmem:s10+$0xFFFFFFC0] =	vst v0  }
0x69: {  	s7 =	sadd.s32 s6, s3;
	v0 =	vadd.f32 v9, v4;
	[tilespmem:s10+$0xFFFFFFD0] =	vst v3  }
0x6a: {  	s7 =	sshll.u32 s7, $0x4;
	[tilespmem:s10+$0xFFFFFFE0] =	vst v1  }
0x6b: {  	s7 =	sadd.s32 s4, s7;
	[tilespmem:s10+$0xFFFFFFF0] =	vst v0  }
0x6c: {  	[hbm4b:s7+s5] =	stream.linear.scatter [tilespmem:s12], [sflag:$0x5], $0x2000, $0x38;
	[tilespmem:$0x1C000] =	vst v63  }
0x6d: {  	s7 =	simm.s32 @!p1 $0x8  }
0x6e: {  	s8 =	sor.u32 $0x3, s30;
	_ =	swait.ge @!p1 [sflag:s7], $0x2000  }
0x6f: {  	s30 =	sshll.u32 s8, $0x6;
	[sflag:s7] =	ssyncset.done @!p1 $0x0  }
0x70: {  	s22 =	sand.u32 $0x3FFFFFC0, s30;
	[sflag:s7] =	ssyncadd.s32 @!p1 $0xFFFFE000  }
0x71: {  	[tilespmem:s16], [sflag:$0x4] =	stream.indirect.gather [hbm4b:s2+s11], $0x80, s22, s11, $0xb8;
	[tilespmem:$0x1C000] =	vst v63  }
0x72: {  	_ =	swait.ge [sflag:s17], $0x2000  }
0x73: {  	[sflag:s17] =	ssyncset.done $0x0  }
0x74: {  	s10 =	simm.s32 $0x16080;
	[sflag:s17] =	ssyncadd.s32 $0xFFFFE000  }
0x75: {  	v0 =	vld [tilespmem:s10+$0x70]  }
0x76: {  	v1 =	vld [tilespmem:s10+$0xFFFFFF90]  }
0x77: {  	v2 =	vld [tilespmem:s1+$0x0]  }
0x78: {  	v3 =	vld [tilespmem:s1+$0xFFFFFF90]  }
0x79: {  	v4 =	vld [tilespmem:s1+$0xFFFFFFA0]  }
0x7a: {  	v5 =	vld [tilespmem:s1+$0xFFFFFFB0]  }
0x7b: {  	v6 =	vld [tilespmem:s1+$0xFFFFFFC0]  }
0x7c: {  	v7 =	vld [tilespmem:s1+$0xFFFFFFD0]  }
0x7d: {  	v8 =	vld [tilespmem:s1+$0xFFFFFFE0]  }
0x7e: {  	v9 =	vld [tilespmem:s1+$0xFFFFFFF0]  }
0x7f: {  	v10 =	vld [tilespmem:s10+$0xFFFFFFA0]  }
0x80: {  	v11 =	vld [tilespmem:s10+$0xFFFFFFB0]  }
0x81: {  	v12 =	vld [tilespmem:s10+$0xFFFFFFC0];
	v0 =	vmul.f32 $1.131370830e+01, v0  }
0x82: {  	v13 =	vld [tilespmem:s10+$0xFFFFFFE0]  }
0x83: {  	v14 =	vld [tilespmem:s10+$0xFFFFFFF0];
	v0 =	vadd.f32 v2, v0  }
0x84: {  	v15 =	vld [tilespmem:s10+$0x10]  }
0x85: {  	[tilespmem:s10+$0x70] =	vst v0;
	v0 =	vld [tilespmem:s10+$0x0]  }
0x86: {  	v17 =	vld [tilespmem:s10+$0x30]  }
0x87: {  	v16 =	vld [tilespmem:s10+$0x20]  }
0x88: {  	v18 =	vld [tilespmem:s10+$0x40]  }
0x89: {  	v19 =	vld [tilespmem:s10+$0x50];
	v15 =	vmul.f32 $1.131370830e+01, v15  }
0x8a: {  	v21 =	vld [tilespmem:s10+$0xFFFFFF80];
	v0 =	vmul.f32 $1.131370830e+01, v0  }
0x8b: {  	v20 =	vld [tilespmem:s10+$0x60];
	v4 =	vadd.f32 v4, v15;
	v15 =	vmul.f32 $1.131370830e+01, v17  }
0x8c: {  	v58 =	vld [tilespmem:s1+$0xFFFFFF10];
	v0 =	vadd.f32 v3, v0;
	v3 =	vmul.f32 $1.131370830e+01, v16  }
0x8d: {  	v60 =	vld [tilespmem:s1+$0xFFFFFF30];
	[tilespmem:s10+$0x10] =	vst v4;
	v4 =	vadd.f32 v6, v15  }
0x8e: {  	v2 =	vld [tilespmem:s10+$0xFFFFFFD0];
	v15 =	vmul.f32 $1.131370830e+01, v19;
	[tilespmem:s10+$0x0] =	vst v0;
	v0 =	vadd.f32 v5, v3;
	v3 =	vmul.f32 $1.131370830e+01, v18  }
0x8f: {  	v59 =	vld [tilespmem:s1+$0xFFFFFF20];
	v62 =	vmul.f32 $1.131370830e+01, v21  }
0x90: {  	v15 =	vadd.f32 v8, v15;
	v5 =	vld [tilespmem:s1+$0xFFFFFF40];
	[tilespmem:s10+$0x20] =	vst v0;
	v0 =	vadd.f32 v7, v3;
	v3 =	vmul.f32 $1.131370830e+01, v20  }
0x91: {  	v61 =	vmul.f32 $1.131370830e+01, v1;
	v10 =	vmul.f32 $1.131370830e+01, v10;
	v6 =	vld [tilespmem:s1+$0xFFFFFF50];
	[tilespmem:s10+$0x30] =	vst v4  }
0x92: {  	v1 =	vmul.f32 $1.131370830e+01, v12;
	v12 =	vadd.f32 v58, v62;
	[tilespmem:s10+$0x50] =	vst v15;
	v7 =	vld [tilespmem:s1+$0xFFFFFF60];
	v63 =	vadd.f32 v9, v3  }
0x93: {  	v10 =	vadd.f32 v60, v10;
	v4 =	vmul.f32 $1.131370830e+01, v11;
	v8 =	vld [tilespmem:s1+$0xFFFFFF70];
	v2 =	vmul.f32 $1.131370830e+01, v2;
	[tilespmem:s10+$0x40] =	vst v0  }
0x94: {  	s3 =	sor.u32 $0x40, s3;
	s8 =	simm.s32 $0x16180;
	s7 =	simm.s32 $0x0;
	v11 =	vadd.f32 v59, v61;
	v0 =	vmul.f32 $1.131370830e+01, v13;
	v3 =	vmul.f32 $1.131370830e+01, v14;
	v9 =	vld [tilespmem:s1+$0xFFFFFF80];
	[tilespmem:s10+$0x60] =	vst v63  }
.LBB2_5:
0x95: {  	v13 =	vld [tilespmem:s8+$0x70];
	s7 =	sadd.s32 $0x2, s7;
	[tilespmem:s10+$0xFFFFFF80] =	vst v12;
	v4 =	vadd.f32 v5, v4  }
0x96: {  	s1 =	sadd.s32 $0x100, s1;
	v5 =	vld [tilespmem:s8+$0xFFFFFF90];
	p1 =	slt.u32 s7, $0x3E;
	[tilespmem:s10+$0xFFFFFF90] =	vst v11;
	v1 =	vadd.f32 v6, v1  }
0x97: {  	v6 =	vld [tilespmem:s1+$0x0];
	[tilespmem:s10+$0xFFFFFFA0] =	vst v10;
	v2 =	vadd.f32 v7, v2  }
0x98: {  	v7 =	vld [tilespmem:s1+$0xFFFFFF90];
	[tilespmem:s10+$0xFFFFFFB0] =	vst v4;
	v0 =	vadd.f32 v8, v0  }
0x99: {  	v8 =	vld [tilespmem:s1+$0xFFFFFFA0];
	[tilespmem:s10+$0xFFFFFFC0] =	vst v1;
	v1 =	vadd.f32 v9, v3  }
0x9a: {  	v9 =	vld [tilespmem:s1+$0xFFFFFFB0];
	v3 =	vmul.f32 $1.131370830e+01, v13;
	[tilespmem:s10+$0xFFFFFFD0] =	vst v2  }
0x9b: {  	v10 =	vmul.f32 $1.131370830e+01, v5;
	v5 =	vld [tilespmem:s1+$0xFFFFFFC0];
	[tilespmem:s10+$0xFFFFFFE0] =	vst v0  }
0x9c: {  	v11 =	vld [tilespmem:s1+$0xFFFFFFD0];
	v0 =	vadd.f32 v6, v3;
	[tilespmem:s10+$0xFFFFFFF0] =	vst v1;
	s10 =	smov.u32 s8  }
0x9d: {  	v12 =	vld [tilespmem:s1+$0xFFFFFFE0]  }
0x9e: {  	v13 =	vld [tilespmem:s1+$0xFFFFFFF0];
	[tilespmem:s8+$0x70] =	vst v0  }
0x9f: {  	v0 =	vld [tilespmem:s8+$0xFFFFFFA0]  }
0xa0: {  	v1 =	vld [tilespmem:s8+$0xFFFFFFB0]  }
0xa1: {  	v2 =	vld [tilespmem:s8+$0xFFFFFFC0]  }
0xa2: {  	v3 =	vld [tilespmem:s8+$0xFFFFFFD0]  }
0xa3: {  	v6 =	vld [tilespmem:s8+$0xFFFFFFE0]  }
0xa4: {  	v14 =	vld [tilespmem:s8+$0xFFFFFFF0];
	v15 =	vmul.f32 $1.131370830e+01, v0  }
0xa5: {  	v4 =	vmul.f32 $1.131370830e+01, v1;
	v16 =	vld [tilespmem:s8+$0x0]  }
0xa6: {  	v1 =	vmul.f32 $1.131370830e+01, v2;
	v17 =	vld [tilespmem:s8+$0x10]  }
0xa7: {  	v2 =	vmul.f32 $1.131370830e+01, v3;
	v18 =	vld [tilespmem:s8+$0x20]  }
0xa8: {  	v0 =	vmul.f32 $1.131370830e+01, v6;
	v6 =	vld [tilespmem:s8+$0x30]  }
0xa9: {  	v3 =	vmul.f32 $1.131370830e+01, v14;
	v14 =	vld [tilespmem:s8+$0x40]  }
0xaa: {  	v19 =	vld [tilespmem:s8+$0x50];
	v16 =	vmul.f32 $1.131370830e+01, v16  }
0xab: {  	v20 =	vld [tilespmem:s8+$0x60];
	v17 =	vmul.f32 $1.131370830e+01, v17  }
0xac: {  	v21 =	vld [tilespmem:s8+$0xFFFFFF80];
	v7 =	vadd.f32 v7, v16;
	v16 =	vmul.f32 $1.131370830e+01, v18  }
0xad: {  	v18 =	vld [tilespmem:s1+$0xFFFFFF10];
	v8 =	vadd.f32 v8, v17;
	v6 =	vmul.f32 $1.131370830e+01, v6  }
0xae: {  	v17 =	vld [tilespmem:s1+$0xFFFFFF20];
	[tilespmem:s8+$0x0] =	vst v7;
	v7 =	vadd.f32 v9, v16;
	v9 =	vmul.f32 $1.131370830e+01, v14  }
0xaf: {  	v14 =	vld [tilespmem:s1+$0xFFFFFF30];
	[tilespmem:s8+$0x10] =	vst v8;
	v8 =	vadd.f32 v5, v6;
	v16 =	vmul.f32 $1.131370830e+01, v19  }
.Ltmp1:
0xb0: {  	v5 =	vld [tilespmem:s1+$0xFFFFFF40];
	[tilespmem:s8+$0x20] =	vst v7;
	v9 =	vadd.f32 v11, v9;
	v11 =	vmul.f32 $1.131370830e+01, v20;
	(pc) =	sbr.rel @p1 .LBB2_5-.Ltmp1, $4  }
0xb1: {  	v6 =	vld [tilespmem:s1+$0xFFFFFF50];
	v19 =	vmul.f32 $1.131370830e+01, v21;
	[tilespmem:s8+$0x30] =	vst v8;
	v16 =	vadd.f32 v12, v16  }
0xb2: {  	v7 =	vld [tilespmem:s1+$0xFFFFFF60];
	[tilespmem:s8+$0x40] =	vst v9;
	v13 =	vadd.f32 v13, v11  }
0xb3: {  	v8 =	vld [tilespmem:s1+$0xFFFFFF70];
	v12 =	vadd.f32 v18, v19;
	v11 =	vadd.f32 v17, v10;
	[tilespmem:s8+$0x50] =	vst v16  }
0xb4: {  	s8 =	sadd.s32 $0x100, s8;
	v9 =	vld [tilespmem:s1+$0xFFFFFF80];
	v10 =	vadd.f32 v14, v15;
	[tilespmem:s10+$0x60] =	vst v13  }
0xb5: {  	[tilespmem:s10+$0xFFFFFF80] =	vst v12  }
0xb6: {  	v4 =	vadd.f32 v5, v4;
	[tilespmem:s10+$0xFFFFFF90] =	vst v11  }
0xb7: {  	v1 =	vadd.f32 v6, v1;
	[tilespmem:s10+$0xFFFFFFA0] =	vst v10  }
0xb8: {  	v2 =	vadd.f32 v7, v2;
	[tilespmem:s10+$0xFFFFFFB0] =	vst v4  }
0xb9: {  	v0 =	vadd.f32 v8, v0;
	[tilespmem:s10+$0xFFFFFFC0] =	vst v1  }
0xba: {  	s1 =	sadd.s32 s6, s3;
	v1 =	vadd.f32 v9, v3;
	[tilespmem:s10+$0xFFFFFFD0] =	vst v2  }
0xbb: {  	s1 =	sshll.u32 s1, $0x4;
	[tilespmem:s10+$0xFFFFFFE0] =	vst v0  }
0xbc: {  	p1 =	seq.s32 s28, $0x3F;
	s1 =	sadd.s32 s4, s1;
	[tilespmem:s10+$0xFFFFFFF0] =	vst v1  }
0xbd: {  	[hbm4b:s1+s5] =	stream.linear.scatter [tilespmem:s13], [sflag:$0x6], $0x2000, $0x38;
	[tilespmem:$0x1C000] =	vst v63  }
0xbe: {  	s1 =	sshll.u32 @!p1 s28, $0x8;
	_ =	swait.ge [sflag:s18], $0x2000  }
0xbf: {  	s7 =	simm.s32 @!p1 $0x40;
	s1 =	sand.u32 @!p1 $0x3FFFFF00, s1;
	[sflag:s18] =	ssyncset.done $0x0  }
0xc0: {  	s8 =	simm.s32 @!p1 $0x14000;
	s3 =	sadd.s32 @!p1 $0x100, s1;
	[sflag:s18] =	ssyncadd.s32 $0xFFFFE000  }
0xc1: {  	v0 =	vmov s0;
	[tilespmem:s8], [sflag:$0x1] =	stream.indirect.gather @!p1 [hbm4b:s2+s7], $0x80, s3, s7, $0xb8;
	[tilespmem:$0x1C000] =	vst v63  }
0xc2: {  	_ =	swait.ge [sflag:s19], $0x2000  }
0xc3: {  	[sflag:s19] =	ssyncset.done $0x0  }
0xc4: {  	s0 =	simm.s32 $0x0;
	[sflag:s19] =	ssyncadd.s32 $0xFFFFE000  }
0xc5: {  	v1 =	vld [tilespmem:s0+$0x180F0]  }
0xc6: {  	v2 =	vld.idx.msk [tilespmem:v0+s0+$0x40F0 ss:$0x1], $0xffff  }
0xc7: {  	v3 =	vld [tilespmem:s0+$0x18000]  }
0xc8: {  	v4 =	vld.idx.msk [tilespmem:v0+s0+$0x4080 ss:$0x1], $0xffff  }
0xc9: {  	v5 =	vld.idx.msk [tilespmem:v0+s0+$0x4090 ss:$0x1], $0xffff  }
0xca: {  	v6 =	vld.idx.msk [tilespmem:v0+s0+$0x40A0 ss:$0x1], $0xffff  }
0xcb: {  	v7 =	vld.idx.msk [tilespmem:v0+s0+$0x40B0 ss:$0x1], $0xffff  }
0xcc: {  	v8 =	vld.idx.msk [tilespmem:v0+s0+$0x40C0 ss:$0x1], $0xffff  }
0xcd: {  	v14 =	vld.idx.msk [tilespmem:v0+s0+$0x40D0 ss:$0x1], $0xffff  }
0xce: {  	v17 =	vld.idx.msk [tilespmem:v0+s0+$0x40E0 ss:$0x1], $0xffff  }
0xcf: {  	v9 =	vld [tilespmem:s0+$0x18010]  }
0xd0: {  	v11 =	vld [tilespmem:s0+$0x18020]  }
0xd1: {  	v12 =	vld [tilespmem:s0+$0x18030]  }
0xd2: {  	v13 =	vld [tilespmem:s0+$0x18040]  }
0xd3: {  	v15 =	vld [tilespmem:s0+$0x18050]  }
0xd4: {  	v10 =	vld [tilespmem:s0+$0x180A0]  }
0xd5: {  	v19 =	vld [tilespmem:s0+$0x180B0]  }
0xd6: {  	v20 =	vld [tilespmem:s0+$0x180C0];
	v1 =	vmul.f32 $1.131370830e+01, v1  }
0xd7: {  	v21 =	vld [tilespmem:s0+$0x180D0]  }
0xd8: {  	v22 =	vld [tilespmem:s0+$0x180E0];
	v1 =	vadd.f32 v2, v1  }
0xd9: {  	v2 =	vld [tilespmem:s0+$0x18090]  }
0xda: {  	[tilespmem:s0+$0x180F0] =	vst v1;
	v1 =	vld [tilespmem:s0+$0x18080]  }
0xdb: {  	v16 =	vld [tilespmem:s0+$0x18060];
	v25 =	vmul.f32 $1.131370830e+01, v10  }
0xdc: {  	v18 =	vld [tilespmem:s0+$0x18070];
	v23 =	vmul.f32 $1.131370830e+01, v3;
	v19 =	vmul.f32 $1.131370830e+01, v19  }
0xdd: {  	v24 =	vld.idx.msk [tilespmem:v0+s0+$0x4000 ss:$0x1], $0xffff;
	v3 =	vmul.f32 $1.131370830e+01, v9;
	v20 =	vmul.f32 $1.131370830e+01, v20;
	v6 =	vadd.f32 v6, v25  }
0xde: {  	v10 =	vld.idx.msk [tilespmem:v0+s0+$0x4010 ss:$0x1], $0xffff;
	v21 =	vmul.f32 $1.131370830e+01, v21;
	v19 =	vadd.f32 v7, v19;
	v2 =	vmul.f32 $1.131370830e+01, v2  }
0xdf: {  	v9 =	vld.idx.msk [tilespmem:v0+s0+$0x4020 ss:$0x1], $0xffff;
	v63 =	vmul.f32 $1.131370830e+01, v22;
	v8 =	vadd.f32 v8, v20;
	[tilespmem:s0+$0x180A0] =	vst v6;
	v1 =	vmul.f32 $1.131370830e+01, v1  }
0xe0: {  	v7 =	vmul.f32 $1.131370830e+01, v15;
	v15 =	vadd.f32 v14, v21;
	v14 =	vld.idx.msk [tilespmem:v0+s0+$0x4060 ss:$0x1], $0xffff;
	[tilespmem:s0+$0x180B0] =	vst v19;
	v5 =	vadd.f32 v5, v2  }
0xe1: {  	[tilespmem:s0+$0x180C0] =	vst v8;
	v4 =	vadd.f32 v4, v1;
	v1 =	vmul.f32 $1.131370830e+01, v11;
	v11 =	vld.idx.msk [tilespmem:v0+s0+$0x4030 ss:$0x1], $0xffff  }
0xe2: {  	v6 =	vmul.f32 $1.131370830e+01, v18;
	v8 =	vadd.f32 v17, v63;
	v2 =	vmul.f32 $1.131370830e+01, v12;
	v12 =	vld.idx.msk [tilespmem:v0+s0+$0x4040 ss:$0x1], $0xffff;
	[tilespmem:s0+$0x18090] =	vst v5  }
0xe3: {  	s3 =	simm.s32 $0x0;
	s7 =	simm.s32 $0x400;
	v5 =	vmul.f32 $1.131370830e+01, v16;
	v16 =	vadd.f32 v24, v23;
	[tilespmem:s0+$0x18080] =	vst v4;
	v4 =	vmul.f32 $1.131370830e+01, v13;
	v13 =	vld.idx.msk [tilespmem:v0+s0+$0x4050 ss:$0x1], $0xffff  }
.LBB2_7:
0xe4: {  	s8 =	sshra.s32 s7, $0x2;
	s3 =	sadd.s32 $0x2, s3;
	v17 =	vld.idx.msk [tilespmem:v0+s0+$0x4070 ss:$0x1], $0xffff;
	v3 =	vadd.f32 v10, v3;
	[tilespmem:s0+$0x180D0] =	vst v15  }
0xe5: {  	v1 =	vadd.f32 v9, v1;
	v10 =	vld [tilespmem:s8+$0x180F0];
	p2 =	slt.u32 s3, $0x3E;
	[tilespmem:s0+$0x18000] =	vst v16  }
0xe6: {  	v2 =	vadd.f32 v11, v2;
	v9 =	vld.idx.msk [tilespmem:v0+s8+$0x40F0 ss:$0x1], $0xffff;
	[tilespmem:s0+$0x18010] =	vst v3  }
0xe7: {  	v3 =	vld [tilespmem:s8+$0x18000];
	[tilespmem:s0+$0x18020] =	vst v1;
	v1 =	vadd.f32 v12, v4  }
0xe8: {  	v11 =	vld.idx.msk [tilespmem:v0+s8+$0x4080 ss:$0x1], $0xffff;
	[tilespmem:s0+$0x18030] =	vst v2;
	v2 =	vadd.f32 v13, v7  }
0xe9: {  	v12 =	vld.idx.msk [tilespmem:v0+s8+$0x4090 ss:$0x1], $0xffff;
	[tilespmem:s0+$0x18040] =	vst v1;
	v1 =	vadd.f32 v14, v5  }
0xea: {  	v13 =	vld.idx.msk [tilespmem:v0+s8+$0x40A0 ss:$0x1], $0xffff;
	v4 =	vmul.f32 $1.131370830e+01, v10;
	[tilespmem:s0+$0x18050] =	vst v2;
	v2 =	vadd.f32 v17, v6  }
0xeb: {  	v14 =	vld.idx.msk [tilespmem:v0+s8+$0x40B0 ss:$0x1], $0xffff;
	[tilespmem:s0+$0x18060] =	vst v1  }
0xec: {  	v16 =	vmul.f32 $1.131370830e+01, v3;
	v15 =	vld.idx.msk [tilespmem:v0+s8+$0x40C0 ss:$0x1], $0xffff;
	v1 =	vadd.f32 v9, v4;
	[tilespmem:s0+$0x18070] =	vst v2  }
0xed: {  	v17 =	vld.idx.msk [tilespmem:v0+s8+$0x40D0 ss:$0x1], $0xffff;
	[tilespmem:s0+$0x180E0] =	vst v8;
	s0 =	smov.u32 s8  }
0xee: {  	v8 =	vld.idx.msk [tilespmem:v0+s0+$0x40E0 ss:$0x1], $0xffff;
	[tilespmem:s0+$0x180F0] =	vst v1  }
0xef: {  	v1 =	vld [tilespmem:s0+$0x18010]  }
0xf0: {  	v2 =	vld [tilespmem:s0+$0x18020]  }
0xf1: {  	v4 =	vld [tilespmem:s0+$0x18030]  }
0xf2: {  	v5 =	vld [tilespmem:s0+$0x18040]  }
0xf3: {  	v6 =	vld [tilespmem:s0+$0x18050]  }
0xf4: {  	v9 =	vld [tilespmem:s0+$0x18060];
	v3 =	vmul.f32 $1.131370830e+01, v1  }
0xf5: {  	v10 =	vld [tilespmem:s0+$0x18070];
	v1 =	vmul.f32 $1.131370830e+01, v2  }
0xf6: {  	v2 =	vmul.f32 $1.131370830e+01, v4;
	v18 =	vld [tilespmem:s0+$0x18080]  }
0xf7: {  	v4 =	vmul.f32 $1.131370830e+01, v5;
	v19 =	vld [tilespmem:s0+$0x18090]  }
0xf8: {  	v7 =	vmul.f32 $1.131370830e+01, v6;
	v20 =	vld [tilespmem:s0+$0x180A0]  }
0xf9: {  	v5 =	vmul.f32 $1.131370830e+01, v9;
	v9 =	vld [tilespmem:s0+$0x180B0]  }
0xfa: {  	v6 =	vmul.f32 $1.131370830e+01, v10;
	v21 =	vld [tilespmem:s0+$0x180C0]  }
0xfb: {  	v22 =	vld [tilespmem:s0+$0x180D0];
	v10 =	vmul.f32 $1.131370830e+01, v18  }
0xfc: {  	v18 =	vld [tilespmem:s0+$0x180E0];
	v19 =	vmul.f32 $1.131370830e+01, v19  }
0xfd: {  	v23 =	vld.idx.msk [tilespmem:v0+s0+$0x4000 ss:$0x1], $0xffff;
	v11 =	vadd.f32 v11, v10;
	v20 =	vmul.f32 $1.131370830e+01, v20  }
0xfe: {  	v10 =	vld.idx.msk [tilespmem:v0+s0+$0x4010 ss:$0x1], $0xffff;
	v12 =	vadd.f32 v12, v19;
	v19 =	vmul.f32 $1.131370830e+01, v9  }
.Ltmp2:
0xff: {  	v9 =	vld.idx.msk [tilespmem:v0+s0+$0x4020 ss:$0x1], $0xffff;
	[tilespmem:s0+$0x18080] =	vst v11;
	v13 =	vadd.f32 v13, v20;
	v20 =	vmul.f32 $1.131370830e+01, v21;
	(pc) =	sbr.rel @p2 .LBB2_7-.Ltmp2, $4  }
0x100: {  	v11 =	vld.idx.msk [tilespmem:v0+s0+$0x4030 ss:$0x1], $0xffff;
	[tilespmem:s0+$0x18090] =	vst v12;
	v14 =	vadd.f32 v14, v19;
	v19 =	vmul.f32 $1.131370830e+01, v22  }
0x101: {  	v12 =	vld.idx.msk [tilespmem:v0+s0+$0x4040 ss:$0x1], $0xffff;
	[tilespmem:s0+$0x180A0] =	vst v13;
	v20 =	vadd.f32 v15, v20;
	v18 =	vmul.f32 $1.131370830e+01, v18  }
0x102: {  	v13 =	vld.idx.msk [tilespmem:v0+s0+$0x4050 ss:$0x1], $0xffff;
	[tilespmem:s0+$0x180B0] =	vst v14;
	v15 =	vadd.f32 v17, v19  }
0x103: {  	s7 =	sadd.s32 $0x400, s7;
	v16 =	vadd.f32 v23, v16;
	v14 =	vld.idx.msk [tilespmem:v0+s0+$0x4060 ss:$0x1], $0xffff;
	[tilespmem:s0+$0x180C0] =	vst v20;
	v8 =	vadd.f32 v8, v18  }
0x104: {  	_ =	sdelay $0x2  }
0x105: {  	[tilespmem:s0+$0x180D0] =	vst v15  }
0x106: {  	v0 =	vld.idx.msk [tilespmem:v0+s0+$0x4070 ss:$0x1], $0xffff;
	v3 =	vadd.f32 v10, v3;
	[tilespmem:s0+$0x18000] =	vst v16  }
0x107: {  	v1 =	vadd.f32 v9, v1;
	[tilespmem:s0+$0x180E0] =	vst v8  }
0x108: {  	v2 =	vadd.f32 v11, v2;
	[tilespmem:s0+$0x18010] =	vst v3  }
0x109: {  	[tilespmem:s0+$0x18020] =	vst v1;
	v1 =	vadd.f32 v12, v4  }
0x10a: {  	[tilespmem:s0+$0x18030] =	vst v2;
	v2 =	vadd.f32 v13, v7  }
0x10b: {  	[tilespmem:s0+$0x18040] =	vst v1;
	v1 =	vadd.f32 v14, v5  }
0x10c: {  	s3 =	sadd.s32 s6, s29;
	[tilespmem:s0+$0x18050] =	vst v2;
	v0 =	vadd.f32 v0, v6  }
0x10d: {  	s3 =	sshll.u32 s3, $0x4;
	[tilespmem:s0+$0x18060] =	vst v1  }
0x10e: {  	s29 =	sadd.s32 s4, s3;
	[tilespmem:s0+$0x18070] =	vst v0  }
0x10f: {  	[hbm4b:s29+s5] =	stream.linear.scatter [tilespmem:s15], [sflag:$0x7], $0x2000, $0x38;
	[tilespmem:$0x1C000] =	vst v63  }
0x110: {  	_ =	swait.ge [sflag:s20], $0x2000  }
0x111: {  	s3 =	simm.s32 @!p1 $0x16000;
	[sflag:s20] =	ssyncset.done $0x0  }
0x112: {  	s0 =	sadd.s32 @!p1 $0x140, s1;
	s1 =	simm.s32 @!p1 $0x40;
	[sflag:s20] =	ssyncadd.s32 $0xFFFFE000  }
0x113: {  	v0 =	vmov s31;
	[tilespmem:s3], [sflag:$0x2] =	stream.indirect.gather @!p1 [hbm4b:s2+s1], $0x80, s0, s1, $0xb8;
	[tilespmem:$0x1C000] =	vst v63  }
0x114: {  	_ =	swait.ge [sflag:s21], $0x2000  }
0x115: {  	[sflag:s21] =	ssyncset.done $0x0  }
0x116: {  	s0 =	simm.s32 $0x0;
	[sflag:s21] =	ssyncadd.s32 $0xFFFFE000  }
0x117: {  	v1 =	vld [tilespmem:s0+$0x1A0F0]  }
0x118: {  	v2 =	vld.idx.msk [tilespmem:v0+s0+$0x60F0 ss:$0x1], $0xffff  }
0x119: {  	v3 =	vld [tilespmem:s0+$0x1A000]  }
0x11a: {  	v4 =	vld.idx.msk [tilespmem:v0+s0+$0x6080 ss:$0x1], $0xffff  }
0x11b: {  	v5 =	vld.idx.msk [tilespmem:v0+s0+$0x6090 ss:$0x1], $0xffff  }
0x11c: {  	v6 =	vld.idx.msk [tilespmem:v0+s0+$0x60A0 ss:$0x1], $0xffff  }
0x11d: {  	v7 =	vld.idx.msk [tilespmem:v0+s0+$0x60B0 ss:$0x1], $0xffff  }
0x11e: {  	v8 =	vld.idx.msk [tilespmem:v0+s0+$0x60C0 ss:$0x1], $0xffff  }
0x11f: {  	v14 =	vld.idx.msk [tilespmem:v0+s0+$0x60D0 ss:$0x1], $0xffff  }
0x120: {  	v17 =	vld.idx.msk [tilespmem:v0+s0+$0x60E0 ss:$0x1], $0xffff  }
0x121: {  	v9 =	vld [tilespmem:s0+$0x1A010]  }
0x122: {  	v11 =	vld [tilespmem:s0+$0x1A020]  }
0x123: {  	v12 =	vld [tilespmem:s0+$0x1A030]  }
0x124: {  	v13 =	vld [tilespmem:s0+$0x1A040]  }
0x125: {  	v15 =	vld [tilespmem:s0+$0x1A050]  }
0x126: {  	v10 =	vld [tilespmem:s0+$0x1A0A0]  }
0x127: {  	v19 =	vld [tilespmem:s0+$0x1A0B0]  }
0x128: {  	v20 =	vld [tilespmem:s0+$0x1A0C0];
	v1 =	vmul.f32 $1.131370830e+01, v1  }
0x129: {  	v21 =	vld [tilespmem:s0+$0x1A0D0]  }
0x12a: {  	v22 =	vld [tilespmem:s0+$0x1A0E0];
	v1 =	vadd.f32 v2, v1  }
0x12b: {  	v2 =	vld [tilespmem:s0+$0x1A090]  }
0x12c: {  	[tilespmem:s0+$0x1A0F0] =	vst v1;
	v1 =	vld [tilespmem:s0+$0x1A080]  }
0x12d: {  	v16 =	vld [tilespmem:s0+$0x1A060];
	v25 =	vmul.f32 $1.131370830e+01, v10  }
0x12e: {  	v18 =	vld [tilespmem:s0+$0x1A070];
	v23 =	vmul.f32 $1.131370830e+01, v3;
	v19 =	vmul.f32 $1.131370830e+01, v19  }
0x12f: {  	v24 =	vld.idx.msk [tilespmem:v0+s0+$0x6000 ss:$0x1], $0xffff;
	v3 =	vmul.f32 $1.131370830e+01, v9;
	v20 =	vmul.f32 $1.131370830e+01, v20;
	v6 =	vadd.f32 v6, v25  }
0x130: {  	v10 =	vld.idx.msk [tilespmem:v0+s0+$0x6010 ss:$0x1], $0xffff;
	v21 =	vmul.f32 $1.131370830e+01, v21;
	v19 =	vadd.f32 v7, v19;
	v2 =	vmul.f32 $1.131370830e+01, v2  }
0x131: {  	v9 =	vld.idx.msk [tilespmem:v0+s0+$0x6020 ss:$0x1], $0xffff;
	v63 =	vmul.f32 $1.131370830e+01, v22;
	v8 =	vadd.f32 v8, v20;
	[tilespmem:s0+$0x1A0A0] =	vst v6;
	v1 =	vmul.f32 $1.131370830e+01, v1  }
0x132: {  	v7 =	vmul.f32 $1.131370830e+01, v15;
	v15 =	vadd.f32 v14, v21;
	v14 =	vld.idx.msk [tilespmem:v0+s0+$0x6060 ss:$0x1], $0xffff;
	[tilespmem:s0+$0x1A0B0] =	vst v19;
	v5 =	vadd.f32 v5, v2  }
0x133: {  	[tilespmem:s0+$0x1A0C0] =	vst v8;
	v4 =	vadd.f32 v4, v1;
	v1 =	vmul.f32 $1.131370830e+01, v11;
	v11 =	vld.idx.msk [tilespmem:v0+s0+$0x6030 ss:$0x1], $0xffff  }
0x134: {  	v6 =	vmul.f32 $1.131370830e+01, v18;
	v8 =	vadd.f32 v17, v63;
	v2 =	vmul.f32 $1.131370830e+01, v12;
	v12 =	vld.idx.msk [tilespmem:v0+s0+$0x6040 ss:$0x1], $0xffff;
	[tilespmem:s0+$0x1A090] =	vst v5  }
0x135: {  	s1 =	simm.s32 $0x0;
	s3 =	simm.s32 $0x400;
	v5 =	vmul.f32 $1.131370830e+01, v16;
	v16 =	vadd.f32 v24, v23;
	[tilespmem:s0+$0x1A080] =	vst v4;
	v4 =	vmul.f32 $1.131370830e+01, v13;
	v13 =	vld.idx.msk [tilespmem:v0+s0+$0x6050 ss:$0x1], $0xffff  }
.LBB2_9:
0x136: {  	s7 =	sshra.s32 s3, $0x2;
	s1 =	sadd.s32 $0x2, s1;
	v17 =	vld.idx.msk [tilespmem:v0+s0+$0x6070 ss:$0x1], $0xffff;
	v3 =	vadd.f32 v10, v3;
	[tilespmem:s0+$0x1A0D0] =	vst v15  }
0x137: {  	v1 =	vadd.f32 v9, v1;
	v10 =	vld [tilespmem:s7+$0x1A0F0];
	p1 =	slt.u32 s1, $0x3E;
	[tilespmem:s0+$0x1A000] =	vst v16  }
0x138: {  	v2 =	vadd.f32 v11, v2;
	v9 =	vld.idx.msk [tilespmem:v0+s7+$0x60F0 ss:$0x1], $0xffff;
	[tilespmem:s0+$0x1A010] =	vst v3  }
0x139: {  	v3 =	vld [tilespmem:s7+$0x1A000];
	[tilespmem:s0+$0x1A020] =	vst v1;
	v1 =	vadd.f32 v12, v4  }
0x13a: {  	v11 =	vld.idx.msk [tilespmem:v0+s7+$0x6080 ss:$0x1], $0xffff;
	[tilespmem:s0+$0x1A030] =	vst v2;
	v2 =	vadd.f32 v13, v7  }
0x13b: {  	v12 =	vld.idx.msk [tilespmem:v0+s7+$0x6090 ss:$0x1], $0xffff;
	[tilespmem:s0+$0x1A040] =	vst v1;
	v1 =	vadd.f32 v14, v5  }
0x13c: {  	v13 =	vld.idx.msk [tilespmem:v0+s7+$0x60A0 ss:$0x1], $0xffff;
	v4 =	vmul.f32 $1.131370830e+01, v10;
	[tilespmem:s0+$0x1A050] =	vst v2;
	v2 =	vadd.f32 v17, v6  }
0x13d: {  	v14 =	vld.idx.msk [tilespmem:v0+s7+$0x60B0 ss:$0x1], $0xffff;
	[tilespmem:s0+$0x1A060] =	vst v1  }
0x13e: {  	v16 =	vmul.f32 $1.131370830e+01, v3;
	v15 =	vld.idx.msk [tilespmem:v0+s7+$0x60C0 ss:$0x1], $0xffff;
	v1 =	vadd.f32 v9, v4;
	[tilespmem:s0+$0x1A070] =	vst v2  }
0x13f: {  	v17 =	vld.idx.msk [tilespmem:v0+s7+$0x60D0 ss:$0x1], $0xffff;
	[tilespmem:s0+$0x1A0E0] =	vst v8;
	s0 =	smov.u32 s7  }
0x140: {  	v8 =	vld.idx.msk [tilespmem:v0+s0+$0x60E0 ss:$0x1], $0xffff;
	[tilespmem:s0+$0x1A0F0] =	vst v1  }
0x141: {  	v1 =	vld [tilespmem:s0+$0x1A010]  }
0x142: {  	v2 =	vld [tilespmem:s0+$0x1A020]  }
0x143: {  	v4 =	vld [tilespmem:s0+$0x1A030]  }
0x144: {  	v5 =	vld [tilespmem:s0+$0x1A040]  }
0x145: {  	v6 =	vld [tilespmem:s0+$0x1A050]  }
0x146: {  	v9 =	vld [tilespmem:s0+$0x1A060];
	v3 =	vmul.f32 $1.131370830e+01, v1  }
0x147: {  	v10 =	vld [tilespmem:s0+$0x1A070];
	v1 =	vmul.f32 $1.131370830e+01, v2  }
0x148: {  	v2 =	vmul.f32 $1.131370830e+01, v4;
	v18 =	vld [tilespmem:s0+$0x1A080]  }
0x149: {  	v4 =	vmul.f32 $1.131370830e+01, v5;
	v19 =	vld [tilespmem:s0+$0x1A090]  }
0x14a: {  	v7 =	vmul.f32 $1.131370830e+01, v6;
	v20 =	vld [tilespmem:s0+$0x1A0A0]  }
0x14b: {  	v5 =	vmul.f32 $1.131370830e+01, v9;
	v9 =	vld [tilespmem:s0+$0x1A0B0]  }
0x14c: {  	v6 =	vmul.f32 $1.131370830e+01, v10;
	v21 =	vld [tilespmem:s0+$0x1A0C0]  }
0x14d: {  	v22 =	vld [tilespmem:s0+$0x1A0D0];
	v10 =	vmul.f32 $1.131370830e+01, v18  }
0x14e: {  	v18 =	vld [tilespmem:s0+$0x1A0E0];
	v19 =	vmul.f32 $1.131370830e+01, v19  }
0x14f: {  	v23 =	vld.idx.msk [tilespmem:v0+s0+$0x6000 ss:$0x1], $0xffff;
	v11 =	vadd.f32 v11, v10;
	v20 =	vmul.f32 $1.131370830e+01, v20  }
0x150: {  	v10 =	vld.idx.msk [tilespmem:v0+s0+$0x6010 ss:$0x1], $0xffff;
	v12 =	vadd.f32 v12, v19;
	v19 =	vmul.f32 $1.131370830e+01, v9  }
.Ltmp3:
0x151: {  	v9 =	vld.idx.msk [tilespmem:v0+s0+$0x6020 ss:$0x1], $0xffff;
	[tilespmem:s0+$0x1A080] =	vst v11;
	v13 =	vadd.f32 v13, v20;
	v20 =	vmul.f32 $1.131370830e+01, v21;
	(pc) =	sbr.rel @p1 .LBB2_9-.Ltmp3, $4  }
0x152: {  	v11 =	vld.idx.msk [tilespmem:v0+s0+$0x6030 ss:$0x1], $0xffff;
	[tilespmem:s0+$0x1A090] =	vst v12;
	v14 =	vadd.f32 v14, v19;
	v19 =	vmul.f32 $1.131370830e+01, v22  }
0x153: {  	v12 =	vld.idx.msk [tilespmem:v0+s0+$0x6040 ss:$0x1], $0xffff;
	[tilespmem:s0+$0x1A0A0] =	vst v13;
	v20 =	vadd.f32 v15, v20;
	v18 =	vmul.f32 $1.131370830e+01, v18  }
0x154: {  	v13 =	vld.idx.msk [tilespmem:v0+s0+$0x6050 ss:$0x1], $0xffff;
	[tilespmem:s0+$0x1A0B0] =	vst v14;
	v15 =	vadd.f32 v17, v19  }
0x155: {  	s3 =	sadd.s32 $0x400, s3;
	v16 =	vadd.f32 v23, v16;
	v14 =	vld.idx.msk [tilespmem:v0+s0+$0x6060 ss:$0x1], $0xffff;
	[tilespmem:s0+$0x1A0C0] =	vst v20;
	v8 =	vadd.f32 v8, v18  }
0x156: {  	_ =	sdelay $0x2  }
0x157: {  	[tilespmem:s0+$0x1A0D0] =	vst v15  }
0x158: {  	v0 =	vld.idx.msk [tilespmem:v0+s0+$0x6070 ss:$0x1], $0xffff;
	v3 =	vadd.f32 v10, v3;
	[tilespmem:s0+$0x1A000] =	vst v16  }
0x159: {  	v1 =	vadd.f32 v9, v1;
	[tilespmem:s0+$0x1A0E0] =	vst v8  }
0x15a: {  	v2 =	vadd.f32 v11, v2;
	[tilespmem:s0+$0x1A010] =	vst v3  }
0x15b: {  	s28 =	sadd.s32 $0x1, s28;
	[tilespmem:s0+$0x1A020] =	vst v1;
	v61 =	vadd.f32 v12, v4  }
0x15c: {  	p1 =	sne.s32 s28, $0x40;
	[tilespmem:s0+$0x1A030] =	vst v2;
	v62 =	vadd.f32 v13, v7  }
.Ltmp4:
0x15d: {  	[tilespmem:s0+$0x1A040] =	vst v61;
	v63 =	vadd.f32 v14, v5;
	(pc) =	sbr.rel @p1 .LBB2_2-.Ltmp4, $4  }
0x15e: {  	s1 =	sadd.s32 s6, s30;
	[tilespmem:s0+$0x1A050] =	vst v62;
	v0 =	vadd.f32 v0, v6  }
0x15f: {  	p0 =	por !p0, !p0;
	s1 =	sshll.u32 s1, $0x4;
	[tilespmem:s0+$0x1A060] =	vst v63  }
0x160: {  	s26 =	sadd.s32 $0x4, s26;
	s25 =	sadd.s32 $0x2, s25;
	s31 =	sadd.s32 s4, s1;
	[tilespmem:s0+$0x1A070] =	vst v0  }
0x161: {  	[hbm4b:s31+s5] =	stream.linear.scatter [tilespmem:s16], [sflag:$0x8], $0x2000, $0x38;
	[tilespmem:$0x1C000] =	vst v63  }
0x162: {  	s0 =	simm.s32 $0x7  }
0x163: {  	_ =	swait.ge [sflag:s0], $0x2000  }
0x164: {  	[sflag:s0] =	ssyncset.done $0x0  }
0x165: {  	[sflag:s0] =	ssyncadd.s32 $0xFFFFE000  }
0x166: {  	_ =	swait.ge [sflag:s23], $0x2000  }
0x167: {  	s24 =	sadd.s32 $0x1, s24;
	s31 =	rddreg [dreg:$0x6]  }
0x168: {  	p0 =	sne.s32 s24, s31  }
.Ltmp5:
0x169: {  	_ = 	snop;
	(pc) =	sbr.rel @p0 .LBB2_1-.Ltmp5, $3  }
0x16a: {  	_ =	sdelay $0x1  }
0x16b: {  	[sflag:s23] =	ssyncset.done $0x0  }
0x16c: {  	[sflag:s23] =	ssyncadd.s32 $0xFFFFE000  }
0x16d: {  	_ =	sfence.sel $0x180000  }
0x16e: {  	[bflag:$0x0] =	sbarrier.arrive $0xFFFF  }
0x16f: {  	_ =	strace $0x90000047  }
0x170: {  	s0 =	stileid.u32;
	[bflag:$0x2] =	sbarrier.arrive $0xFFFF  }
0x171: {  	p0 =	sne.s32 s0, $0x0;
	s0 =	rddreg [dreg:$0x4]  }
0x172: {  	s0 =	sadd.s32 @!p0 $0x100000, s0  }
0x173: {  	[sflag:s0] =	ssyncadd.tile.s32 @!p0 $0x1;
	_ =	shalt  }
.Lfunc_end2:
_tile_overlayer_lowered:
.L_overlay_start_2:
0x174: {  	(tag) =	ssettag $0x2  }
0x175: {  	s0 =	rddreg [dreg:$0x0];
	s2 =	stileid.u32  }
0x176: {  	s1 =	rddreg [dreg:$0x1];
	p0 =	sne.s32 s2, $0x0  }
0x177: {  	s3 =	rddreg [dreg:$0x2];
	[bflag:$0x3] =	sbarrier.arrive $0xFFFF;
	s2 =	simm.s32 @!p0 $0x1C09  }
0x178: {  	[timem:s3], [sflag:s2] =	dma.local @!p0 [hbm:s0], s1  }
0x179: {  	s0 =	simm.s32 @!p0 $0x9  }
0x17a: {  	_ =	swait.ge @!p0 [sflag:s0], s1  }
0x17b: {  	s1 =	ssub.s32 @!p0 $0x0, s1;
	[sflag:s0] =	ssyncset.done @!p0 $0x0  }
0x17c: {  	[sflag:s0] =	ssyncadd.s32 @!p0 s1  }
0x17d: {  	[bflag:$0x3] =	sbarrier.arrive $0xFFFF  }
0x17e: {  	_ =	shalt  }

</sc_bundles>
